<compile_context>
chip_gen: v7x
topology: tpu7x:2x2x1
jax: 0.10.2.dev20260603
libtpu: 0.0.44.dev20260713+nightly
codegen_flags: <defaults>
</compile_context>

<pallas_src>
import functools

import jax
import jax.numpy as jnp
from jax import lax
from jax.experimental import pallas as pl
from jax.experimental.pallas import tpu as pltpu
from jax.experimental.pallas import tpu_sc as plsc

CHUNK = 80
NSLOT = 4
LANES = 16
FROWS = 125


def _body(nat, n_chunks, d_core, n_cores, n_sub,
          edge_hbm, src_hbm, dst_hbm, out_hbm,
          acc_src, acc_dst, rows0, rows1, rows2, rows3,
          idx0, idx1, idx2, idx3,
          fa, fb, sem_l0, sem_l1, sem_l2, sem_l3,
          sem_s0, sem_s1, sem_s2, sem_s3):
    c = lax.axis_index("c")
    s = lax.axis_index("s")
    rows_per_sub = nat // n_sub
    col0 = c * d_core

    rows_b = (rows0, rows1, rows2, rows3)
    idx_b = (idx0, idx1, idx2, idx3)
    sem_l = (sem_l0, sem_l1, sem_l2, sem_l3)
    sem_s = (sem_s0, sem_s1, sem_s2, sem_s3)

    cnt = n_chunks // n_sub
    start = s * cnt

    def load_args(gi, b):
        ch = start + gi
        return (
            (src_hbm.at[ch], idx_b[b].at[0]),
            (dst_hbm.at[ch], idx_b[b].at[1]),
            (edge_hbm.at[pl.ds(ch * CHUNK, CHUNK),
                         pl.ds(col0, d_core)], rows_b[b]),
        )

    def start_loads(gi, b):
        for src, dst in load_args(gi, b):
            pltpu.async_copy(src, dst, sem_l[b])

    def wait_loads(gi, b):
        for src, dst in load_args(gi, b):
            pltpu.make_async_copy(src, dst, sem_l[b]).wait()

    def drain_scatters(b):
        pltpu.make_async_copy(rows_b[b], acc_src.at[idx_b[b].at[0]], sem_s[b]).wait()
        pltpu.make_async_copy(rows_b[b], acc_dst.at[idx_b[b].at[1]], sem_s[b]).wait()

    start_loads(0, 0)
    start_loads(1, 1)

    frows = fa.shape[0]
    ncg = d_core // LANES

    def zero_row(i, _):
        for k in range(ncg):
            fa[i, pl.ds(k * LANES, LANES)] = jnp.zeros((LANES,), jnp.float32)
        return 0

    lax.fori_loop(0, frows, zero_row, 0)

    for b in range(rows_per_sub // frows):
        base = s * rows_per_sub + b * frows
        pltpu.sync_copy(fa, acc_src.at[pl.ds(base, frows)])
        pltpu.sync_copy(fa, acc_dst.at[pl.ds(base, frows)])
    plsc.subcore_barrier()

    def loop_body(go, _):
        for b in range(NSLOT):
            gi = go * NSLOT + b
            pb = (b + NSLOT - 2) % NSLOT

            @pl.when((gi >= 2) & (gi <= cnt + 1))
            def _():
                drain_scatters(pb)

            @pl.when(gi + 2 < cnt)
            def _():
                start_loads(gi + 2, pb)

            @pl.when(gi < cnt)
            def _():
                wait_loads(gi, b)
                pltpu.async_copy(
                    rows_b[b], acc_src.at[idx_b[b].at[0]], sem_s[b], add=True)
                pltpu.async_copy(
                    rows_b[b], acc_dst.at[idx_b[b].at[1]], sem_s[b], add=True)

        return 0

    lax.fori_loop(0, (cnt + 2 + NSLOT - 1) // NSLOT + 1, loop_body, 0)
    plsc.subcore_barrier()

    for b in range(rows_per_sub // frows):
        row0 = s * rows_per_sub + b * frows
        pltpu.sync_copy(acc_src.at[pl.ds(row0, frows)], fa)
        pltpu.sync_copy(acc_dst.at[pl.ds(row0, frows)], fb)

        def sub_row(i, _):
            for k in range(ncg):
                sl = pl.ds(k * LANES, LANES)
                fa[i, sl] = fa[i, sl] - fb[i, sl]
            return 0

        lax.fori_loop(0, frows, sub_row, 0)

        pltpu.sync_copy(fa, out_hbm.at[pl.ds(row0, frows),
                                       pl.ds(col0, d_core)])


def kernel(edge_attr, edge_src, edge_dst, species):
    nat = species.shape[0]
    n_edges, d_feat = edge_attr.shape
    info = plsc.get_sparse_core_info()
    n_cores, n_sub = info.num_cores, info.num_subcores
    d_core = d_feat // n_cores
    n_chunks = n_edges // CHUNK

    src2d = edge_src.reshape(n_chunks, CHUNK)
    dst2d = edge_dst.reshape(n_chunks, CHUNK)

    mesh = plsc.VectorSubcoreMesh(core_axis_name="c", subcore_axis_name="s")
    body = functools.partial(_body, nat, n_chunks, d_core, n_cores, n_sub)
    k = pl.kernel(
        body,
        out_type=jax.ShapeDtypeStruct((nat, d_feat), jnp.float32),
        mesh=mesh,
        scratch_types=[
            pltpu.VMEM_SHARED((nat, d_core), jnp.float32),
            pltpu.VMEM_SHARED((nat, d_core), jnp.float32),
            pltpu.VMEM((CHUNK, d_core), jnp.float32),
            pltpu.VMEM((CHUNK, d_core), jnp.float32),
            pltpu.VMEM((CHUNK, d_core), jnp.float32),
            pltpu.VMEM((CHUNK, d_core), jnp.float32),
            pltpu.VMEM((2, CHUNK), jnp.int32),
            pltpu.VMEM((2, CHUNK), jnp.int32),
            pltpu.VMEM((2, CHUNK), jnp.int32),
            pltpu.VMEM((2, CHUNK), jnp.int32),
            pltpu.VMEM((FROWS, d_core), jnp.float32),
            pltpu.VMEM((FROWS, d_core), jnp.float32),
            pltpu.SemaphoreType.DMA,
            pltpu.SemaphoreType.DMA,
            pltpu.SemaphoreType.DMA,
            pltpu.SemaphoreType.DMA,
            pltpu.SemaphoreType.DMA,
            pltpu.SemaphoreType.DMA,
            pltpu.SemaphoreType.DMA,
            pltpu.SemaphoreType.DMA,
        ],
        compiler_params=pltpu.CompilerParams(use_tc_tiling_on_sc=False),
    )
    return k(edge_attr, src2d, dst2d)

# --- scband reference (transcript-rebuilt; emitter-appended) ---
"""Pipeline reference for scband-scatter-edges-77790447665656 (READ-ONLY COPY).

The authoritative reference and input builder live on the scoring server;
editing this copy changes nothing except your own understanding.
"""

import jax, jax.numpy as jnp
import numpy as np

N_NODES = 10000
N_EDGES = 320000
D_FEAT = 128


def setup_inputs(seed: int = 0) -> dict:
    key = jax.random.key(seed)
    k1, k2, k3, k4 = jax.random.split(key, 4)
    edge_attr = jax.random.normal(k1, (N_EDGES, D_FEAT), dtype=jnp.float32)
    edge_src = jax.random.randint(k2, (N_EDGES,), 0, N_NODES, dtype=jnp.int64 if jax.config.jax_enable_x64 else jnp.int32).astype(jnp.int32)
    edge_dst = jax.random.randint(k3, (N_EDGES,), 0, N_NODES, dtype=jnp.int64 if jax.config.jax_enable_x64 else jnp.int32).astype(jnp.int32)
    species = jax.random.randint(k4, (N_NODES,), 0, 50, dtype=jnp.int32)
    return {"edge_attr": edge_attr, "edge_src": edge_src, "edge_dst": edge_dst, "species": species}


def reference(edge_attr, edge_src, edge_dst, species):
    # ScatterEdges with switch=False, antisymmetric=True:
    #   output = segment_sum(x, edge_src, nat) - segment_sum(x, edge_dst, nat)
    nat = species.shape[0]
    out = jax.ops.segment_sum(edge_attr, edge_src, num_segments=nat)
    out = out - jax.ops.segment_sum(edge_attr, edge_dst, num_segments=nat)
    return out

if __name__ == "__main__":
    import jax
    _d = setup_inputs()
    print(jax.jit(kernel)(*tuple(_d.values())))

</pallas_src>

<mosaic_0001>
#map = affine_map<(d0, d1) -> (0, 0)>
module attributes {stable_mosaic.version = 14 : i64} {
  func.func @_body(%arg0: i32, %arg1: i32, %arg2: memref<320000x128xf32, #tpu.memory_space<hbm>>, %arg3: memref<4000x80xi32, #tpu.memory_space<hbm>>, %arg4: memref<4000x80xi32, #tpu.memory_space<hbm>>, %arg5: memref<10000x128xf32, #tpu.memory_space<hbm>>, %arg6: memref<10000x64xf32, #tpu.memory_space<vmem_shared>>, %arg7: memref<10000x64xf32, #tpu.memory_space<vmem_shared>>, %arg8: memref<80x64xf32, #tpu.memory_space<vmem>>, %arg9: memref<80x64xf32, #tpu.memory_space<vmem>>, %arg10: memref<80x64xf32, #tpu.memory_space<vmem>>, %arg11: memref<80x64xf32, #tpu.memory_space<vmem>>, %arg12: memref<2x80xi32, #tpu.memory_space<vmem>>, %arg13: memref<2x80xi32, #tpu.memory_space<vmem>>, %arg14: memref<2x80xi32, #tpu.memory_space<vmem>>, %arg15: memref<2x80xi32, #tpu.memory_space<vmem>>, %arg16: memref<125x64xf32, #tpu.memory_space<vmem>>, %arg17: memref<125x64xf32, #tpu.memory_space<vmem>>, %arg18: memref<!tpu.dma_semaphore, #tpu.memory_space<semaphore_mem>>, %arg19: memref<!tpu.dma_semaphore, #tpu.memory_space<semaphore_mem>>, %arg20: memref<!tpu.dma_semaphore, #tpu.memory_space<semaphore_mem>>, %arg21: memref<!tpu.dma_semaphore, #tpu.memory_space<semaphore_mem>>, %arg22: memref<!tpu.dma_semaphore, #tpu.memory_space<semaphore_mem>>, %arg23: memref<!tpu.dma_semaphore, #tpu.memory_space<semaphore_mem>>, %arg24: memref<!tpu.dma_semaphore, #tpu.memory_space<semaphore_mem>>, %arg25: memref<!tpu.dma_semaphore, #tpu.memory_space<semaphore_mem>>) attributes {dimension_semantics = [#tpu.dimension_semantics<core_parallel>, #tpu.dimension_semantics<subcore_parallel>], iteration_bounds = array<i64: 2, 16>, scalar_prefetch = 0 : i64, scratch_operands = 20 : i64, tpu.core_type = #tpu.core_type<sc_vector_subcore>, window_params = [{transform_indices = #map}, {transform_indices = #map}, {transform_indices = #map}, {transform_indices = #map}]} {
    %mul3A = arith.constant 64 : i32
    %mul3A_0 = arith.muli %arg0, %mul3A : i32
    %mul3A_1 = arith.constant 250 : i32
    %mul3A_2 = arith.muli %arg1, %mul3A_1 : i32
    %add3A = arith.constant 0 : i32
    %add3A_3 = arith.addi %mul3A_2, %add3A : i32
    %mul3A_4 = arith.constant 80 : i32
    %mul3A_5 = arith.muli %add3A_3, %mul3A_4 : i32
    %dma_start3A = arith.constant 0 : i32
    %dma_start3A_6 = arith.constant 0 : i32
    %dma_start3A_7 = tpu.memref_slice %arg12[%dma_start3A, %dma_start3A_6] : memref<2x80xi32, #tpu.memory_space<vmem>> -> memref<1x80xi32, #tpu.memory_space<vmem>>
    %dma_start3A_8 = tpu.memref_squeeze %dma_start3A_7 : memref<1x80xi32, #tpu.memory_space<vmem>> -> memref<80xi32, #tpu.memory_space<vmem>>
    %dma_start3A_9 = arith.constant 0 : i32
    %dma_start3A_10 = tpu.memref_slice %arg3[%add3A_3, %dma_start3A_9] : memref<4000x80xi32, #tpu.memory_space<hbm>> -> memref<1x80xi32, #tpu.memory_space<hbm>>
    %dma_start3A_11 = tpu.memref_squeeze %dma_start3A_10 : memref<1x80xi32, #tpu.memory_space<hbm>> -> memref<80xi32, #tpu.memory_space<hbm>>
    %dma_start3A_12 = arith.constant 0 : i32
    %dma_start3A_13 = tpu.memref_slice %arg12[%dma_start3A, %dma_start3A_12] : memref<2x80xi32, #tpu.memory_space<vmem>> -> memref<1x80xi32, #tpu.memory_space<vmem>>
    %dma_start3A_14 = tpu.memref_squeeze %dma_start3A_13 : memref<1x80xi32, #tpu.memory_space<vmem>> -> memref<80xi32, #tpu.memory_space<vmem>>
    %dma_start3A_15 = arith.constant 0 : i32
    %dma_start3A_16 = tpu.memref_slice %arg3[%add3A_3, %dma_start3A_15] : memref<4000x80xi32, #tpu.memory_space<hbm>> -> memref<1x80xi32, #tpu.memory_space<hbm>>
    %dma_start3A_17 = tpu.memref_squeeze %dma_start3A_16 : memref<1x80xi32, #tpu.memory_space<hbm>> -> memref<80xi32, #tpu.memory_space<hbm>>
    tpu.enqueue_dma source(%dma_start3A_17 : memref<80xi32, #tpu.memory_space<hbm>>) target(%dma_start3A_14 : memref<80xi32, #tpu.memory_space<vmem>>) target_semaphore(%arg18 : memref<!tpu.dma_semaphore, #tpu.memory_space<semaphore_mem>>)
    %dma_start3A_18 = arith.constant 1 : i32
    %dma_start3A_19 = arith.constant 0 : i32
    %dma_start3A_20 = tpu.memref_slice %arg12[%dma_start3A_18, %dma_start3A_19] : memref<2x80xi32, #tpu.memory_space<vmem>> -> memref<1x80xi32, #tpu.memory_space<vmem>>
    %dma_start3A_21 = tpu.memref_squeeze %dma_start3A_20 : memref<1x80xi32, #tpu.memory_space<vmem>> -> memref<80xi32, #tpu.memory_space<vmem>>
    %dma_start3A_22 = arith.constant 0 : i32
    %dma_start3A_23 = tpu.memref_slice %arg4[%add3A_3, %dma_start3A_22] : memref<4000x80xi32, #tpu.memory_space<hbm>> -> memref<1x80xi32, #tpu.memory_space<hbm>>
    %dma_start3A_24 = tpu.memref_squeeze %dma_start3A_23 : memref<1x80xi32, #tpu.memory_space<hbm>> -> memref<80xi32, #tpu.memory_space<hbm>>
    %dma_start3A_25 = arith.constant 0 : i32
    %dma_start3A_26 = tpu.memref_slice %arg12[%dma_start3A_18, %dma_start3A_25] : memref<2x80xi32, #tpu.memory_space<vmem>> -> memref<1x80xi32, #tpu.memory_space<vmem>>
    %dma_start3A_27 = tpu.memref_squeeze %dma_start3A_26 : memref<1x80xi32, #tpu.memory_space<vmem>> -> memref<80xi32, #tpu.memory_space<vmem>>
    %dma_start3A_28 = arith.constant 0 : i32
    %dma_start3A_29 = tpu.memref_slice %arg4[%add3A_3, %dma_start3A_28] : memref<4000x80xi32, #tpu.memory_space<hbm>> -> memref<1x80xi32, #tpu.memory_space<hbm>>
    %dma_start3A_30 = tpu.memref_squeeze %dma_start3A_29 : memref<1x80xi32, #tpu.memory_space<hbm>> -> memref<80xi32, #tpu.memory_space<hbm>>
    tpu.enqueue_dma source(%dma_start3A_30 : memref<80xi32, #tpu.memory_space<hbm>>) target(%dma_start3A_27 : memref<80xi32, #tpu.memory_space<vmem>>) target_semaphore(%arg18 : memref<!tpu.dma_semaphore, #tpu.memory_space<semaphore_mem>>)
    %dma_start3A_31 = tpu.memref_slice %arg2[%mul3A_5, %mul3A_0] : memref<320000x128xf32, #tpu.memory_space<hbm>> -> memref<80x64xf32, #tpu.memory_space<hbm>>
    %dma_start3A_32 = tpu.memref_slice %arg2[%mul3A_5, %mul3A_0] : memref<320000x128xf32, #tpu.memory_space<hbm>> -> memref<80x64xf32, #tpu.memory_space<hbm>>
    tpu.enqueue_dma source(%dma_start3A_32 : memref<80x64xf32, #tpu.memory_space<hbm>>) target(%arg8 : memref<80x64xf32, #tpu.memory_space<vmem>>) target_semaphore(%arg18 : memref<!tpu.dma_semaphore, #tpu.memory_space<semaphore_mem>>)
    %add3A_33 = arith.constant 1 : i32
    %add3A_34 = arith.addi %mul3A_2, %add3A_33 : i32
    %mul3A_35 = arith.constant 80 : i32
    %mul3A_36 = arith.muli %add3A_34, %mul3A_35 : i32
    %dma_start3A_37 = arith.constant 0 : i32
    %dma_start3A_38 = arith.constant 0 : i32
    %dma_start3A_39 = tpu.memref_slice %arg13[%dma_start3A_37, %dma_start3A_38] : memref<2x80xi32, #tpu.memory_space<vmem>> -> memref<1x80xi32, #tpu.memory_space<vmem>>
    %dma_start3A_40 = tpu.memref_squeeze %dma_start3A_39 : memref<1x80xi32, #tpu.memory_space<vmem>> -> memref<80xi32, #tpu.memory_space<vmem>>
    %dma_start3A_41 = arith.constant 0 : i32
    %dma_start3A_42 = tpu.memref_slice %arg3[%add3A_34, %dma_start3A_41] : memref<4000x80xi32, #tpu.memory_space<hbm>> -> memref<1x80xi32, #tpu.memory_space<hbm>>
    %dma_start3A_43 = tpu.memref_squeeze %dma_start3A_42 : memref<1x80xi32, #tpu.memory_space<hbm>> -> memref<80xi32, #tpu.memory_space<hbm>>
    %dma_start3A_44 = arith.constant 0 : i32
    %dma_start3A_45 = tpu.memref_slice %arg13[%dma_start3A_37, %dma_start3A_44] : memref<2x80xi32, #tpu.memory_space<vmem>> -> memref<1x80xi32, #tpu.memory_space<vmem>>
    %dma_start3A_46 = tpu.memref_squeeze %dma_start3A_45 : memref<1x80xi32, #tpu.memory_space<vmem>> -> memref<80xi32, #tpu.memory_space<vmem>>
    %dma_start3A_47 = arith.constant 0 : i32
    %dma_start3A_48 = tpu.memref_slice %arg3[%add3A_34, %dma_start3A_47] : memref<4000x80xi32, #tpu.memory_space<hbm>> -> memref<1x80xi32, #tpu.memory_space<hbm>>
    %dma_start3A_49 = tpu.memref_squeeze %dma_start3A_48 : memref<1x80xi32, #tpu.memory_space<hbm>> -> memref<80xi32, #tpu.memory_space<hbm>>
    tpu.enqueue_dma source(%dma_start3A_49 : memref<80xi32, #tpu.memory_space<hbm>>) target(%dma_start3A_46 : memref<80xi32, #tpu.memory_space<vmem>>) target_semaphore(%arg19 : memref<!tpu.dma_semaphore, #tpu.memory_space<semaphore_mem>>)
    %dma_start3A_50 = arith.constant 1 : i32
    %dma_start3A_51 = arith.constant 0 : i32
    %dma_start3A_52 = tpu.memref_slice %arg13[%dma_start3A_50, %dma_start3A_51] : memref<2x80xi32, #tpu.memory_space<vmem>> -> memref<1x80xi32, #tpu.memory_space<vmem>>
    %dma_start3A_53 = tpu.memref_squeeze %dma_start3A_52 : memref<1x80xi32, #tpu.memory_space<vmem>> -> memref<80xi32, #tpu.memory_space<vmem>>
    %dma_start3A_54 = arith.constant 0 : i32
    %dma_start3A_55 = tpu.memref_slice %arg4[%add3A_34, %dma_start3A_54] : memref<4000x80xi32, #tpu.memory_space<hbm>> -> memref<1x80xi32, #tpu.memory_space<hbm>>
    %dma_start3A_56 = tpu.memref_squeeze %dma_start3A_55 : memref<1x80xi32, #tpu.memory_space<hbm>> -> memref<80xi32, #tpu.memory_space<hbm>>
    %dma_start3A_57 = arith.constant 0 : i32
    %dma_start3A_58 = tpu.memref_slice %arg13[%dma_start3A_50, %dma_start3A_57] : memref<2x80xi32, #tpu.memory_space<vmem>> -> memref<1x80xi32, #tpu.memory_space<vmem>>
    %dma_start3A_59 = tpu.memref_squeeze %dma_start3A_58 : memref<1x80xi32, #tpu.memory_space<vmem>> -> memref<80xi32, #tpu.memory_space<vmem>>
    %dma_start3A_60 = arith.constant 0 : i32
    %dma_start3A_61 = tpu.memref_slice %arg4[%add3A_34, %dma_start3A_60] : memref<4000x80xi32, #tpu.memory_space<hbm>> -> memref<1x80xi32, #tpu.memory_space<hbm>>
    %dma_start3A_62 = tpu.memref_squeeze %dma_start3A_61 : memref<1x80xi32, #tpu.memory_space<hbm>> -> memref<80xi32, #tpu.memory_space<hbm>>
    tpu.enqueue_dma source(%dma_start3A_62 : memref<80xi32, #tpu.memory_space<hbm>>) target(%dma_start3A_59 : memref<80xi32, #tpu.memory_space<vmem>>) target_semaphore(%arg19 : memref<!tpu.dma_semaphore, #tpu.memory_space<semaphore_mem>>)
    %dma_start3A_63 = tpu.memref_slice %arg2[%mul3A_36, %mul3A_0] : memref<320000x128xf32, #tpu.memory_space<hbm>> -> memref<80x64xf32, #tpu.memory_space<hbm>>
    %dma_start3A_64 = tpu.memref_slice %arg2[%mul3A_36, %mul3A_0] : memref<320000x128xf32, #tpu.memory_space<hbm>> -> memref<80x64xf32, #tpu.memory_space<hbm>>
    tpu.enqueue_dma source(%dma_start3A_64 : memref<80x64xf32, #tpu.memory_space<hbm>>) target(%arg9 : memref<80x64xf32, #tpu.memory_space<vmem>>) target_semaphore(%arg19 : memref<!tpu.dma_semaphore, #tpu.memory_space<semaphore_mem>>)
    %scan3A = arith.constant 0 : i32
    %scan3A_65 = arith.constant 0 : i32
    %scan3A_66 = arith.constant 125 : i32
    %scan3A_67 = arith.addi %scan3A_65, %scan3A_66 : i32
    %scan3A_68 = arith.constant 1 : i32
    %scan3A_69 = scf.for %scan3A_154 = %scan3A_65 to %scan3A_67 step %scan3A_68 iter_args(%scan3A_155 = %scan3A) -> (i32)  : i32 {
      %broadcast_in_dim3A = arith.constant 0.000000e+00 : f32
      %broadcast_in_dim3A_156 = vector.broadcast %broadcast_in_dim3A : f32 to vector<16xf32>
      %swap3A = arith.index_cast %scan3A_154 : i32 to index
      %swap3A_157 = arith.constant 0 : index
      %swap3A_158 = tpu.vector_load %arg16[%swap3A, %swap3A_157] {strides = array<i32>} : memref<125x64xf32, #tpu.memory_space<vmem>>, vector<1x16xf32>,
      %swap3A_159 = vector.shape_cast %swap3A_158 : vector<1x16xf32> to vector<16xf32>
      %swap3A_160 = vector.shape_cast %broadcast_in_dim3A_156 : vector<16xf32> to vector<1x16xf32>
      tpu.vector_store %arg16[%swap3A, %swap3A_157], %swap3A_160 {strides = array<i32>} : memref<125x64xf32, #tpu.memory_space<vmem>>, vector<1x16xf32>,
      %broadcast_in_dim3A_161 = arith.constant 0.000000e+00 : f32
      %broadcast_in_dim3A_162 = vector.broadcast %broadcast_in_dim3A_161 : f32 to vector<16xf32>
      %swap3A_163 = arith.index_cast %scan3A_154 : i32 to index
      %swap3A_164 = arith.constant 16 : index
      %swap3A_165 = tpu.vector_load %arg16[%swap3A_163, %swap3A_164] {strides = array<i32>} : memref<125x64xf32, #tpu.memory_space<vmem>>, vector<1x16xf32>,
      %swap3A_166 = vector.shape_cast %swap3A_165 : vector<1x16xf32> to vector<16xf32>
      %swap3A_167 = vector.shape_cast %broadcast_in_dim3A_162 : vector<16xf32> to vector<1x16xf32>
      tpu.vector_store %arg16[%swap3A_163, %swap3A_164], %swap3A_167 {strides = array<i32>} : memref<125x64xf32, #tpu.memory_space<vmem>>, vector<1x16xf32>,
      %broadcast_in_dim3A_168 = arith.constant 0.000000e+00 : f32
      %broadcast_in_dim3A_169 = vector.broadcast %broadcast_in_dim3A_168 : f32 to vector<16xf32>
      %swap3A_170 = arith.index_cast %scan3A_154 : i32 to index
      %swap3A_171 = arith.constant 32 : index
      %swap3A_172 = tpu.vector_load %arg16[%swap3A_170, %swap3A_171] {strides = array<i32>} : memref<125x64xf32, #tpu.memory_space<vmem>>, vector<1x16xf32>,
      %swap3A_173 = vector.shape_cast %swap3A_172 : vector<1x16xf32> to vector<16xf32>
      %swap3A_174 = vector.shape_cast %broadcast_in_dim3A_169 : vector<16xf32> to vector<1x16xf32>
      tpu.vector_store %arg16[%swap3A_170, %swap3A_171], %swap3A_174 {strides = array<i32>} : memref<125x64xf32, #tpu.memory_space<vmem>>, vector<1x16xf32>,
      %broadcast_in_dim3A_175 = arith.constant 0.000000e+00 : f32
      %broadcast_in_dim3A_176 = vector.broadcast %broadcast_in_dim3A_175 : f32 to vector<16xf32>
      %swap3A_177 = arith.index_cast %scan3A_154 : i32 to index
      %swap3A_178 = arith.constant 48 : index
      %swap3A_179 = tpu.vector_load %arg16[%swap3A_177, %swap3A_178] {strides = array<i32>} : memref<125x64xf32, #tpu.memory_space<vmem>>, vector<1x16xf32>,
      %swap3A_180 = vector.shape_cast %swap3A_179 : vector<1x16xf32> to vector<16xf32>
      %swap3A_181 = vector.shape_cast %broadcast_in_dim3A_176 : vector<16xf32> to vector<1x16xf32>
      tpu.vector_store %arg16[%swap3A_177, %swap3A_178], %swap3A_181 {strides = array<i32>} : memref<125x64xf32, #tpu.memory_space<vmem>>, vector<1x16xf32>,
      %scan3A_182 = arith.constant 0 : i32
      scf.yield %scan3A_182 : i32
    }
    %scan3A_70 = arith.constant 125 : i32
    %mul3A_71 = arith.constant 625 : i32
    %mul3A_72 = arith.muli %arg1, %mul3A_71 : i32
    %add3A_73 = arith.constant 0 : i32
    %add3A_74 = arith.addi %mul3A_72, %add3A_73 : i32
    "tpu.region"() ({
      %run_scoped3A = tpu.sem_alloc : memref<!tpu.dma_semaphore, #tpu.memory_space<semaphore_mem>>
      %dma_start3A_154 = arith.constant 0 : i32
      %dma_start3A_155 = tpu.memref_slice %arg6[%add3A_74, %dma_start3A_154] : memref<10000x64xf32, #tpu.memory_space<vmem_shared>> -> memref<125x64xf32, #tpu.memory_space<vmem_shared>>
      %dma_start3A_156 = arith.constant 0 : i32
      %dma_start3A_157 = tpu.memref_slice %arg6[%add3A_74, %dma_start3A_156] : memref<10000x64xf32, #tpu.memory_space<vmem_shared>> -> memref<125x64xf32, #tpu.memory_space<vmem_shared>>
      tpu.enqueue_dma source(%arg16 : memref<125x64xf32, #tpu.memory_space<vmem>>) target(%dma_start3A_157 : memref<125x64xf32, #tpu.memory_space<vmem_shared>>) target_semaphore(%run_scoped3A : memref<!tpu.dma_semaphore, #tpu.memory_space<semaphore_mem>>)
      %dma_wait3A = arith.constant 0 : i32
      %dma_wait3A_158 = tpu.memref_slice %arg6[%add3A_74, %dma_wait3A] : memref<10000x64xf32, #tpu.memory_space<vmem_shared>> -> memref<125x64xf32, #tpu.memory_space<vmem_shared>>
      %dma_wait3A_159 = arith.constant 0 : i32
      %dma_wait3A_160 = tpu.memref_slice %arg6[%add3A_74, %dma_wait3A_159] : memref<10000x64xf32, #tpu.memory_space<vmem_shared>> -> memref<125x64xf32, #tpu.memory_space<vmem_shared>>
      tpu.wait_dma2 semaphore(%run_scoped3A : memref<!tpu.dma_semaphore, #tpu.memory_space<semaphore_mem>>) src(%arg16 : memref<125x64xf32, #tpu.memory_space<vmem>>) dst(%dma_wait3A_160 : memref<125x64xf32, #tpu.memory_space<vmem_shared>>)
      tpu.yield
    }) : () -> ()
    "tpu.region"() ({
      %run_scoped3A = tpu.sem_alloc : memref<!tpu.dma_semaphore, #tpu.memory_space<semaphore_mem>>
      %dma_start3A_154 = arith.constant 0 : i32
      %dma_start3A_155 = tpu.memref_slice %arg7[%add3A_74, %dma_start3A_154] : memref<10000x64xf32, #tpu.memory_space<vmem_shared>> -> memref<125x64xf32, #tpu.memory_space<vmem_shared>>
      %dma_start3A_156 = arith.constant 0 : i32
      %dma_start3A_157 = tpu.memref_slice %arg7[%add3A_74, %dma_start3A_156] : memref<10000x64xf32, #tpu.memory_space<vmem_shared>> -> memref<125x64xf32, #tpu.memory_space<vmem_shared>>
      tpu.enqueue_dma source(%arg16 : memref<125x64xf32, #tpu.memory_space<vmem>>) target(%dma_start3A_157 : memref<125x64xf32, #tpu.memory_space<vmem_shared>>) target_semaphore(%run_scoped3A : memref<!tpu.dma_semaphore, #tpu.memory_space<semaphore_mem>>)
      %dma_wait3A = arith.constant 0 : i32
      %dma_wait3A_158 = tpu.memref_slice %arg7[%add3A_74, %dma_wait3A] : memref<10000x64xf32, #tpu.memory_space<vmem_shared>> -> memref<125x64xf32, #tpu.memory_space<vmem_shared>>
      %dma_wait3A_159 = arith.constant 0 : i32
      %dma_wait3A_160 = tpu.memref_slice %arg7[%add3A_74, %dma_wait3A_159] : memref<10000x64xf32, #tpu.memory_space<vmem_shared>> -> memref<125x64xf32, #tpu.memory_space<vmem_shared>>
      tpu.wait_dma2 semaphore(%run_scoped3A : memref<!tpu.dma_semaphore, #tpu.memory_space<semaphore_mem>>) src(%arg16 : memref<125x64xf32, #tpu.memory_space<vmem>>) dst(%dma_wait3A_160 : memref<125x64xf32, #tpu.memory_space<vmem_shared>>)
      tpu.yield
    }) : () -> ()
    %mul3A_75 = arith.constant 625 : i32
    %mul3A_76 = arith.muli %arg1, %mul3A_75 : i32
    %add3A_77 = arith.constant 125 : i32
    %add3A_78 = arith.addi %mul3A_76, %add3A_77 : i32
    "tpu.region"() ({
      %run_scoped3A = tpu.sem_alloc : memref<!tpu.dma_semaphore, #tpu.memory_space<semaphore_mem>>
      %dma_start3A_154 = arith.constant 0 : i32
      %dma_start3A_155 = tpu.memref_slice %arg6[%add3A_78, %dma_start3A_154] : memref<10000x64xf32, #tpu.memory_space<vmem_shared>> -> memref<125x64xf32, #tpu.memory_space<vmem_shared>>
      %dma_start3A_156 = arith.constant 0 : i32
      %dma_start3A_157 = tpu.memref_slice %arg6[%add3A_78, %dma_start3A_156] : memref<10000x64xf32, #tpu.memory_space<vmem_shared>> -> memref<125x64xf32, #tpu.memory_space<vmem_shared>>
      tpu.enqueue_dma source(%arg16 : memref<125x64xf32, #tpu.memory_space<vmem>>) target(%dma_start3A_157 : memref<125x64xf32, #tpu.memory_space<vmem_shared>>) target_semaphore(%run_scoped3A : memref<!tpu.dma_semaphore, #tpu.memory_space<semaphore_mem>>)
      %dma_wait3A = arith.constant 0 : i32
      %dma_wait3A_158 = tpu.memref_slice %arg6[%add3A_78, %dma_wait3A] : memref<10000x64xf32, #tpu.memory_space<vmem_shared>> -> memref<125x64xf32, #tpu.memory_space<vmem_shared>>
      %dma_wait3A_159 = arith.constant 0 : i32
      %dma_wait3A_160 = tpu.memref_slice %arg6[%add3A_78, %dma_wait3A_159] : memref<10000x64xf32, #tpu.memory_space<vmem_shared>> -> memref<125x64xf32, #tpu.memory_space<vmem_shared>>
      tpu.wait_dma2 semaphore(%run_scoped3A : memref<!tpu.dma_semaphore, #tpu.memory_space<semaphore_mem>>) src(%arg16 : memref<125x64xf32, #tpu.memory_space<vmem>>) dst(%dma_wait3A_160 : memref<125x64xf32, #tpu.memory_space<vmem_shared>>)
      tpu.yield
    }) : () -> ()
    "tpu.region"() ({
      %run_scoped3A = tpu.sem_alloc : memref<!tpu.dma_semaphore, #tpu.memory_space<semaphore_mem>>
      %dma_start3A_154 = arith.constant 0 : i32
      %dma_start3A_155 = tpu.memref_slice %arg7[%add3A_78, %dma_start3A_154] : memref<10000x64xf32, #tpu.memory_space<vmem_shared>> -> memref<125x64xf32, #tpu.memory_space<vmem_shared>>
      %dma_start3A_156 = arith.constant 0 : i32
      %dma_start3A_157 = tpu.memref_slice %arg7[%add3A_78, %dma_start3A_156] : memref<10000x64xf32, #tpu.memory_space<vmem_shared>> -> memref<125x64xf32, #tpu.memory_space<vmem_shared>>
      tpu.enqueue_dma source(%arg16 : memref<125x64xf32, #tpu.memory_space<vmem>>) target(%dma_start3A_157 : memref<125x64xf32, #tpu.memory_space<vmem_shared>>) target_semaphore(%run_scoped3A : memref<!tpu.dma_semaphore, #tpu.memory_space<semaphore_mem>>)
      %dma_wait3A = arith.constant 0 : i32
      %dma_wait3A_158 = tpu.memref_slice %arg7[%add3A_78, %dma_wait3A] : memref<10000x64xf32, #tpu.memory_space<vmem_shared>> -> memref<125x64xf32, #tpu.memory_space<vmem_shared>>
      %dma_wait3A_159 = arith.constant 0 : i32
      %dma_wait3A_160 = tpu.memref_slice %arg7[%add3A_78, %dma_wait3A_159] : memref<10000x64xf32, #tpu.memory_space<vmem_shared>> -> memref<125x64xf32, #tpu.memory_space<vmem_shared>>
      tpu.wait_dma2 semaphore(%run_scoped3A : memref<!tpu.dma_semaphore, #tpu.memory_space<semaphore_mem>>) src(%arg16 : memref<125x64xf32, #tpu.memory_space<vmem>>) dst(%dma_wait3A_160 : memref<125x64xf32, #tpu.memory_space<vmem_shared>>)
      tpu.yield
    }) : () -> ()
    %mul3A_79 = arith.constant 625 : i32
    %mul3A_80 = arith.muli %arg1, %mul3A_79 : i32
    %add3A_81 = arith.constant 250 : i32
    %add3A_82 = arith.addi %mul3A_80, %add3A_81 : i32
    "tpu.region"() ({
      %run_scoped3A = tpu.sem_alloc : memref<!tpu.dma_semaphore, #tpu.memory_space<semaphore_mem>>
      %dma_start3A_154 = arith.constant 0 : i32
      %dma_start3A_155 = tpu.memref_slice %arg6[%add3A_82, %dma_start3A_154] : memref<10000x64xf32, #tpu.memory_space<vmem_shared>> -> memref<125x64xf32, #tpu.memory_space<vmem_shared>>
      %dma_start3A_156 = arith.constant 0 : i32
      %dma_start3A_157 = tpu.memref_slice %arg6[%add3A_82, %dma_start3A_156] : memref<10000x64xf32, #tpu.memory_space<vmem_shared>> -> memref<125x64xf32, #tpu.memory_space<vmem_shared>>
      tpu.enqueue_dma source(%arg16 : memref<125x64xf32, #tpu.memory_space<vmem>>) target(%dma_start3A_157 : memref<125x64xf32, #tpu.memory_space<vmem_shared>>) target_semaphore(%run_scoped3A : memref<!tpu.dma_semaphore, #tpu.memory_space<semaphore_mem>>)
      %dma_wait3A = arith.constant 0 : i32
      %dma_wait3A_158 = tpu.memref_slice %arg6[%add3A_82, %dma_wait3A] : memref<10000x64xf32, #tpu.memory_space<vmem_shared>> -> memref<125x64xf32, #tpu.memory_space<vmem_shared>>
      %dma_wait3A_159 = arith.constant 0 : i32
      %dma_wait3A_160 = tpu.memref_slice %arg6[%add3A_82, %dma_wait3A_159] : memref<10000x64xf32, #tpu.memory_space<vmem_shared>> -> memref<125x64xf32, #tpu.memory_space<vmem_shared>>
      tpu.wait_dma2 semaphore(%run_scoped3A : memref<!tpu.dma_semaphore, #tpu.memory_space<semaphore_mem>>) src(%arg16 : memref<125x64xf32, #tpu.memory_space<vmem>>) dst(%dma_wait3A_160 : memref<125x64xf32, #tpu.memory_space<vmem_shared>>)
      tpu.yield
    }) : () -> ()
    "tpu.region"() ({
      %run_scoped3A = tpu.sem_alloc : memref<!tpu.dma_semaphore, #tpu.memory_space<semaphore_mem>>
      %dma_start3A_154 = arith.constant 0 : i32
      %dma_start3A_155 = tpu.memref_slice %arg7[%add3A_82, %dma_start3A_154] : memref<10000x64xf32, #tpu.memory_space<vmem_shared>> -> memref<125x64xf32, #tpu.memory_space<vmem_shared>>
      %dma_start3A_156 = arith.constant 0 : i32
      %dma_start3A_157 = tpu.memref_slice %arg7[%add3A_82, %dma_start3A_156] : memref<10000x64xf32, #tpu.memory_space<vmem_shared>> -> memref<125x64xf32, #tpu.memory_space<vmem_shared>>
      tpu.enqueue_dma source(%arg16 : memref<125x64xf32, #tpu.memory_space<vmem>>) target(%dma_start3A_157 : memref<125x64xf32, #tpu.memory_space<vmem_shared>>) target_semaphore(%run_scoped3A : memref<!tpu.dma_semaphore, #tpu.memory_space<semaphore_mem>>)
      %dma_wait3A = arith.constant 0 : i32
      %dma_wait3A_158 = tpu.memref_slice %arg7[%add3A_82, %dma_wait3A] : memref<10000x64xf32, #tpu.memory_space<vmem_shared>> -> memref<125x64xf32, #tpu.memory_space<vmem_shared>>
      %dma_wait3A_159 = arith.constant 0 : i32
      %dma_wait3A_160 = tpu.memref_slice %arg7[%add3A_82, %dma_wait3A_159] : memref<10000x64xf32, #tpu.memory_space<vmem_shared>> -> memref<125x64xf32, #tpu.memory_space<vmem_shared>>
      tpu.wait_dma2 semaphore(%run_scoped3A : memref<!tpu.dma_semaphore, #tpu.memory_space<semaphore_mem>>) src(%arg16 : memref<125x64xf32, #tpu.memory_space<vmem>>) dst(%dma_wait3A_160 : memref<125x64xf32, #tpu.memory_space<vmem_shared>>)
      tpu.yield
    }) : () -> ()
    %mul3A_83 = arith.constant 625 : i32
    %mul3A_84 = arith.muli %arg1, %mul3A_83 : i32
    %add3A_85 = arith.constant 375 : i32
    %add3A_86 = arith.addi %mul3A_84, %add3A_85 : i32
    "tpu.region"() ({
      %run_scoped3A = tpu.sem_alloc : memref<!tpu.dma_semaphore, #tpu.memory_space<semaphore_mem>>
      %dma_start3A_154 = arith.constant 0 : i32
      %dma_start3A_155 = tpu.memref_slice %arg6[%add3A_86, %dma_start3A_154] : memref<10000x64xf32, #tpu.memory_space<vmem_shared>> -> memref<125x64xf32, #tpu.memory_space<vmem_shared>>
      %dma_start3A_156 = arith.constant 0 : i32
      %dma_start3A_157 = tpu.memref_slice %arg6[%add3A_86, %dma_start3A_156] : memref<10000x64xf32, #tpu.memory_space<vmem_shared>> -> memref<125x64xf32, #tpu.memory_space<vmem_shared>>
      tpu.enqueue_dma source(%arg16 : memref<125x64xf32, #tpu.memory_space<vmem>>) target(%dma_start3A_157 : memref<125x64xf32, #tpu.memory_space<vmem_shared>>) target_semaphore(%run_scoped3A : memref<!tpu.dma_semaphore, #tpu.memory_space<semaphore_mem>>)
      %dma_wait3A = arith.constant 0 : i32
      %dma_wait3A_158 = tpu.memref_slice %arg6[%add3A_86, %dma_wait3A] : memref<10000x64xf32, #tpu.memory_space<vmem_shared>> -> memref<125x64xf32, #tpu.memory_space<vmem_shared>>
      %dma_wait3A_159 = arith.constant 0 : i32
      %dma_wait3A_160 = tpu.memref_slice %arg6[%add3A_86, %dma_wait3A_159] : memref<10000x64xf32, #tpu.memory_space<vmem_shared>> -> memref<125x64xf32, #tpu.memory_space<vmem_shared>>
      tpu.wait_dma2 semaphore(%run_scoped3A : memref<!tpu.dma_semaphore, #tpu.memory_space<semaphore_mem>>) src(%arg16 : memref<125x64xf32, #tpu.memory_space<vmem>>) dst(%dma_wait3A_160 : memref<125x64xf32, #tpu.memory_space<vmem_shared>>)
      tpu.yield
    }) : () -> ()
    "tpu.region"() ({
      %run_scoped3A = tpu.sem_alloc : memref<!tpu.dma_semaphore, #tpu.memory_space<semaphore_mem>>
      %dma_start3A_154 = arith.constant 0 : i32
      %dma_start3A_155 = tpu.memref_slice %arg7[%add3A_86, %dma_start3A_154] : memref<10000x64xf32, #tpu.memory_space<vmem_shared>> -> memref<125x64xf32, #tpu.memory_space<vmem_shared>>
      %dma_start3A_156 = arith.constant 0 : i32
      %dma_start3A_157 = tpu.memref_slice %arg7[%add3A_86, %dma_start3A_156] : memref<10000x64xf32, #tpu.memory_space<vmem_shared>> -> memref<125x64xf32, #tpu.memory_space<vmem_shared>>
      tpu.enqueue_dma source(%arg16 : memref<125x64xf32, #tpu.memory_space<vmem>>) target(%dma_start3A_157 : memref<125x64xf32, #tpu.memory_space<vmem_shared>>) target_semaphore(%run_scoped3A : memref<!tpu.dma_semaphore, #tpu.memory_space<semaphore_mem>>)
      %dma_wait3A = arith.constant 0 : i32
      %dma_wait3A_158 = tpu.memref_slice %arg7[%add3A_86, %dma_wait3A] : memref<10000x64xf32, #tpu.memory_space<vmem_shared>> -> memref<125x64xf32, #tpu.memory_space<vmem_shared>>
      %dma_wait3A_159 = arith.constant 0 : i32
      %dma_wait3A_160 = tpu.memref_slice %arg7[%add3A_86, %dma_wait3A_159] : memref<10000x64xf32, #tpu.memory_space<vmem_shared>> -> memref<125x64xf32, #tpu.memory_space<vmem_shared>>
      tpu.wait_dma2 semaphore(%run_scoped3A : memref<!tpu.dma_semaphore, #tpu.memory_space<semaphore_mem>>) src(%arg16 : memref<125x64xf32, #tpu.memory_space<vmem>>) dst(%dma_wait3A_160 : memref<125x64xf32, #tpu.memory_space<vmem_shared>>)
      tpu.yield
    }) : () -> ()
    %mul3A_87 = arith.constant 625 : i32
    %mul3A_88 = arith.muli %arg1, %mul3A_87 : i32
    %add3A_89 = arith.constant 500 : i32
    %add3A_90 = arith.addi %mul3A_88, %add3A_89 : i32
    "tpu.region"() ({
      %run_scoped3A = tpu.sem_alloc : memref<!tpu.dma_semaphore, #tpu.memory_space<semaphore_mem>>
      %dma_start3A_154 = arith.constant 0 : i32
      %dma_start3A_155 = tpu.memref_slice %arg6[%add3A_90, %dma_start3A_154] : memref<10000x64xf32, #tpu.memory_space<vmem_shared>> -> memref<125x64xf32, #tpu.memory_space<vmem_shared>>
      %dma_start3A_156 = arith.constant 0 : i32
      %dma_start3A_157 = tpu.memref_slice %arg6[%add3A_90, %dma_start3A_156] : memref<10000x64xf32, #tpu.memory_space<vmem_shared>> -> memref<125x64xf32, #tpu.memory_space<vmem_shared>>
      tpu.enqueue_dma source(%arg16 : memref<125x64xf32, #tpu.memory_space<vmem>>) target(%dma_start3A_157 : memref<125x64xf32, #tpu.memory_space<vmem_shared>>) target_semaphore(%run_scoped3A : memref<!tpu.dma_semaphore, #tpu.memory_space<semaphore_mem>>)
      %dma_wait3A = arith.constant 0 : i32
      %dma_wait3A_158 = tpu.memref_slice %arg6[%add3A_90, %dma_wait3A] : memref<10000x64xf32, #tpu.memory_space<vmem_shared>> -> memref<125x64xf32, #tpu.memory_space<vmem_shared>>
      %dma_wait3A_159 = arith.constant 0 : i32
      %dma_wait3A_160 = tpu.memref_slice %arg6[%add3A_90, %dma_wait3A_159] : memref<10000x64xf32, #tpu.memory_space<vmem_shared>> -> memref<125x64xf32, #tpu.memory_space<vmem_shared>>
      tpu.wait_dma2 semaphore(%run_scoped3A : memref<!tpu.dma_semaphore, #tpu.memory_space<semaphore_mem>>) src(%arg16 : memref<125x64xf32, #tpu.memory_space<vmem>>) dst(%dma_wait3A_160 : memref<125x64xf32, #tpu.memory_space<vmem_shared>>)
      tpu.yield
    }) : () -> ()
    "tpu.region"() ({
      %run_scoped3A = tpu.sem_alloc : memref<!tpu.dma_semaphore, #tpu.memory_space<semaphore_mem>>
      %dma_start3A_154 = arith.constant 0 : i32
      %dma_start3A_155 = tpu.memref_slice %arg7[%add3A_90, %dma_start3A_154] : memref<10000x64xf32, #tpu.memory_space<vmem_shared>> -> memref<125x64xf32, #tpu.memory_space<vmem_shared>>
      %dma_start3A_156 = arith.constant 0 : i32
      %dma_start3A_157 = tpu.memref_slice %arg7[%add3A_90, %dma_start3A_156] : memref<10000x64xf32, #tpu.memory_space<vmem_shared>> -> memref<125x64xf32, #tpu.memory_space<vmem_shared>>
      tpu.enqueue_dma source(%arg16 : memref<125x64xf32, #tpu.memory_space<vmem>>) target(%dma_start3A_157 : memref<125x64xf32, #tpu.memory_space<vmem_shared>>) target_semaphore(%run_scoped3A : memref<!tpu.dma_semaphore, #tpu.memory_space<semaphore_mem>>)
      %dma_wait3A = arith.constant 0 : i32
      %dma_wait3A_158 = tpu.memref_slice %arg7[%add3A_90, %dma_wait3A] : memref<10000x64xf32, #tpu.memory_space<vmem_shared>> -> memref<125x64xf32, #tpu.memory_space<vmem_shared>>
      %dma_wait3A_159 = arith.constant 0 : i32
      %dma_wait3A_160 = tpu.memref_slice %arg7[%add3A_90, %dma_wait3A_159] : memref<10000x64xf32, #tpu.memory_space<vmem_shared>> -> memref<125x64xf32, #tpu.memory_space<vmem_shared>>
      tpu.wait_dma2 semaphore(%run_scoped3A : memref<!tpu.dma_semaphore, #tpu.memory_space<semaphore_mem>>) src(%arg16 : memref<125x64xf32, #tpu.memory_space<vmem>>) dst(%dma_wait3A_160 : memref<125x64xf32, #tpu.memory_space<vmem_shared>>)
      tpu.yield
    }) : () -> ()
    %barrier3A = arith.constant 0 : index
    tpu.barrier barrier_id(%barrier3A)
    %scan3A_91 = arith.constant 0 : i32
    %scan3A_92 = arith.constant 0 : i32
    %scan3A_93 = arith.constant 64 : i32
    %scan3A_94 = arith.addi %scan3A_92, %scan3A_93 : i32
    %scan3A_95 = arith.constant 1 : i32
    %scan3A_96 = scf.for %scan3A_154 = %scan3A_92 to %scan3A_94 step %scan3A_95 iter_args(%scan3A_155 = %scan3A_91) -> (i32)  : i32 {
      %mul3A_156 = arith.constant 4 : i32
      %mul3A_157 = arith.muli %scan3A_154, %mul3A_156 : i32
      %add3A_158 = arith.constant 0 : i32
      %add3A_159 = arith.addi %mul3A_157, %add3A_158 : i32
      %ge3A = arith.constant 2 : i32
      %ge3A_160 = arith.cmpi sge, %add3A_159, %ge3A : i32
      %le3A = arith.constant 251 : i32
      %le3A_161 = arith.cmpi sle, %add3A_159, %le3A : i32
      %and3A = arith.andi %ge3A_160, %le3A_161 : i1
      %convert_element_type3A = arith.extui %and3A : i1 to i32
      %cond3A = arith.constant 0 : i32
      %cond3A_162 = arith.cmpi ne, %convert_element_type3A, %cond3A : i32
      scf.if %cond3A_162 {
        %dma_wait3A = arith.constant 0 : i32
        %dma_wait3A_247 = arith.constant 0 : i32
        %dma_wait3A_248 = tpu.memref_slice %arg14[%dma_wait3A, %dma_wait3A_247] : memref<2x80xi32, #tpu.memory_space<vmem>> -> memref<1x80xi32, #tpu.memory_space<vmem>>
        %dma_wait3A_249 = tpu.memref_squeeze %dma_wait3A_248 : memref<1x80xi32, #tpu.memory_space<vmem>> -> memref<80xi32, #tpu.memory_space<vmem>>
        %dma_wait3A_250 = arith.constant 0 : i32
        %dma_wait3A_251 = arith.constant 0 : i32
        %dma_wait3A_252 = tpu.memref_slice %arg6[%dma_wait3A_250, %dma_wait3A_251] : memref<10000x64xf32, #tpu.memory_space<vmem_shared>> -> memref<10000x64xf32, #tpu.memory_space<vmem_shared>>
        tpu.wait_indirect_dma semaphore(%arg24 : memref<!tpu.dma_semaphore, #tpu.memory_space<semaphore_mem>>) src(%arg10 : memref<80x64xf32, #tpu.memory_space<vmem>>) dst(%dma_wait3A_252 : memref<10000x64xf32, #tpu.memory_space<vmem_shared>>)
        %dma_wait3A_253 = arith.constant 1 : i32
        %dma_wait3A_254 = arith.constant 0 : i32
        %dma_wait3A_255 = tpu.memref_slice %arg14[%dma_wait3A_253, %dma_wait3A_254] : memref<2x80xi32, #tpu.memory_space<vmem>> -> memref<1x80xi32, #tpu.memory_space<vmem>>
        %dma_wait3A_256 = tpu.memref_squeeze %dma_wait3A_255 : memref<1x80xi32, #tpu.memory_space<vmem>> -> memref<80xi32, #tpu.memory_space<vmem>>
        %dma_wait3A_257 = arith.constant 0 : i32
        %dma_wait3A_258 = arith.constant 0 : i32
        %dma_wait3A_259 = tpu.memref_slice %arg7[%dma_wait3A_257, %dma_wait3A_258] : memref<10000x64xf32, #tpu.memory_space<vmem_shared>> -> memref<10000x64xf32, #tpu.memory_space<vmem_shared>>
        tpu.wait_indirect_dma semaphore(%arg24 : memref<!tpu.dma_semaphore, #tpu.memory_space<semaphore_mem>>) src(%arg10 : memref<80x64xf32, #tpu.memory_space<vmem>>) dst(%dma_wait3A_259 : memref<10000x64xf32, #tpu.memory_space<vmem_shared>>)
      } else {
      }
      %add3A_163 = arith.constant 2 : i32
      %add3A_164 = arith.addi %add3A_159, %add3A_163 : i32
      %lt3A = arith.constant 250 : i32
      %lt3A_165 = arith.cmpi slt, %add3A_164, %lt3A : i32
      %convert_element_type3A_166 = arith.extui %lt3A_165 : i1 to i32
      %cond3A_167 = arith.constant 0 : i32
      %cond3A_168 = arith.cmpi ne, %convert_element_type3A_166, %cond3A_167 : i32
      scf.if %cond3A_168 {
        %add3A_247 = arith.constant 2 : i32
        %add3A_248 = arith.addi %add3A_159, %add3A_247 : i32
        %add3A_249 = arith.addi %mul3A_2, %add3A_248 : i32
        %mul3A_250 = arith.constant 80 : i32
        %mul3A_251 = arith.muli %add3A_249, %mul3A_250 : i32
        %dma_start3A_252 = arith.constant 0 : i32
        %dma_start3A_253 = arith.constant 0 : i32
        %dma_start3A_254 = tpu.memref_slice %arg14[%dma_start3A_252, %dma_start3A_253] : memref<2x80xi32, #tpu.memory_space<vmem>> -> memref<1x80xi32, #tpu.memory_space<vmem>>
        %dma_start3A_255 = tpu.memref_squeeze %dma_start3A_254 : memref<1x80xi32, #tpu.memory_space<vmem>> -> memref<80xi32, #tpu.memory_space<vmem>>
        %dma_start3A_256 = arith.constant 0 : i32
        %dma_start3A_257 = tpu.memref_slice %arg3[%add3A_249, %dma_start3A_256] : memref<4000x80xi32, #tpu.memory_space<hbm>> -> memref<1x80xi32, #tpu.memory_space<hbm>>
        %dma_start3A_258 = tpu.memref_squeeze %dma_start3A_257 : memref<1x80xi32, #tpu.memory_space<hbm>> -> memref<80xi32, #tpu.memory_space<hbm>>
        %dma_start3A_259 = arith.constant 0 : i32
        %dma_start3A_260 = tpu.memref_slice %arg14[%dma_start3A_252, %dma_start3A_259] : memref<2x80xi32, #tpu.memory_space<vmem>> -> memref<1x80xi32, #tpu.memory_space<vmem>>
        %dma_start3A_261 = tpu.memref_squeeze %dma_start3A_260 : memref<1x80xi32, #tpu.memory_space<vmem>> -> memref<80xi32, #tpu.memory_space<vmem>>
        %dma_start3A_262 = arith.constant 0 : i32
        %dma_start3A_263 = tpu.memref_slice %arg3[%add3A_249, %dma_start3A_262] : memref<4000x80xi32, #tpu.memory_space<hbm>> -> memref<1x80xi32, #tpu.memory_space<hbm>>
        %dma_start3A_264 = tpu.memref_squeeze %dma_start3A_263 : memref<1x80xi32, #tpu.memory_space<hbm>> -> memref<80xi32, #tpu.memory_space<hbm>>
        tpu.enqueue_dma source(%dma_start3A_264 : memref<80xi32, #tpu.memory_space<hbm>>) target(%dma_start3A_261 : memref<80xi32, #tpu.memory_space<vmem>>) target_semaphore(%arg20 : memref<!tpu.dma_semaphore, #tpu.memory_space<semaphore_mem>>)
        %dma_start3A_265 = arith.constant 1 : i32
        %dma_start3A_266 = arith.constant 0 : i32
        %dma_start3A_267 = tpu.memref_slice %arg14[%dma_start3A_265, %dma_start3A_266] : memref<2x80xi32, #tpu.memory_space<vmem>> -> memref<1x80xi32, #tpu.memory_space<vmem>>
        %dma_start3A_268 = tpu.memref_squeeze %dma_start3A_267 : memref<1x80xi32, #tpu.memory_space<vmem>> -> memref<80xi32, #tpu.memory_space<vmem>>
        %dma_start3A_269 = arith.constant 0 : i32
        %dma_start3A_270 = tpu.memref_slice %arg4[%add3A_249, %dma_start3A_269] : memref<4000x80xi32, #tpu.memory_space<hbm>> -> memref<1x80xi32, #tpu.memory_space<hbm>>
        %dma_start3A_271 = tpu.memref_squeeze %dma_start3A_270 : memref<1x80xi32, #tpu.memory_space<hbm>> -> memref<80xi32, #tpu.memory_space<hbm>>
        %dma_start3A_272 = arith.constant 0 : i32
        %dma_start3A_273 = tpu.memref_slice %arg14[%dma_start3A_265, %dma_start3A_272] : memref<2x80xi32, #tpu.memory_space<vmem>> -> memref<1x80xi32, #tpu.memory_space<vmem>>
        %dma_start3A_274 = tpu.memref_squeeze %dma_start3A_273 : memref<1x80xi32, #tpu.memory_space<vmem>> -> memref<80xi32, #tpu.memory_space<vmem>>
        %dma_start3A_275 = arith.constant 0 : i32
        %dma_start3A_276 = tpu.memref_slice %arg4[%add3A_249, %dma_start3A_275] : memref<4000x80xi32, #tpu.memory_space<hbm>> -> memref<1x80xi32, #tpu.memory_space<hbm>>
        %dma_start3A_277 = tpu.memref_squeeze %dma_start3A_276 : memref<1x80xi32, #tpu.memory_space<hbm>> -> memref<80xi32, #tpu.memory_space<hbm>>
        tpu.enqueue_dma source(%dma_start3A_277 : memref<80xi32, #tpu.memory_space<hbm>>) target(%dma_start3A_274 : memref<80xi32, #tpu.memory_space<vmem>>) target_semaphore(%arg20 : memref<!tpu.dma_semaphore, #tpu.memory_space<semaphore_mem>>)
        %dma_start3A_278 = tpu.memref_slice %arg2[%mul3A_251, %mul3A_0] : memref<320000x128xf32, #tpu.memory_space<hbm>> -> memref<80x64xf32, #tpu.memory_space<hbm>>
        %dma_start3A_279 = tpu.memref_slice %arg2[%mul3A_251, %mul3A_0] : memref<320000x128xf32, #tpu.memory_space<hbm>> -> memref<80x64xf32, #tpu.memory_space<hbm>>
        tpu.enqueue_dma source(%dma_start3A_279 : memref<80x64xf32, #tpu.memory_space<hbm>>) target(%arg10 : memref<80x64xf32, #tpu.memory_space<vmem>>) target_semaphore(%arg20 : memref<!tpu.dma_semaphore, #tpu.memory_space<semaphore_mem>>)
      } else {
      }
      %lt3A_169 = arith.constant 250 : i32
      %lt3A_170 = arith.cmpi slt, %add3A_159, %lt3A_169 : i32
      %convert_element_type3A_171 = arith.extui %lt3A_170 : i1 to i32
      %cond3A_172 = arith.constant 0 : i32
      %cond3A_173 = arith.cmpi ne, %convert_element_type3A_171, %cond3A_172 : i32
      scf.if %cond3A_173 {
        %add3A_247 = arith.addi %mul3A_2, %add3A_159 : i32
        %mul3A_248 = arith.constant 80 : i32
        %mul3A_249 = arith.muli %add3A_247, %mul3A_248 : i32
        %dma_wait3A = arith.constant 0 : i32
        %dma_wait3A_250 = arith.constant 0 : i32
        %dma_wait3A_251 = tpu.memref_slice %arg12[%dma_wait3A, %dma_wait3A_250] : memref<2x80xi32, #tpu.memory_space<vmem>> -> memref<1x80xi32, #tpu.memory_space<vmem>>
        %dma_wait3A_252 = tpu.memref_squeeze %dma_wait3A_251 : memref<1x80xi32, #tpu.memory_space<vmem>> -> memref<80xi32, #tpu.memory_space<vmem>>
        %dma_wait3A_253 = arith.constant 0 : i32
        %dma_wait3A_254 = tpu.memref_slice %arg3[%add3A_247, %dma_wait3A_253] : memref<4000x80xi32, #tpu.memory_space<hbm>> -> memref<1x80xi32, #tpu.memory_space<hbm>>
        %dma_wait3A_255 = tpu.memref_squeeze %dma_wait3A_254 : memref<1x80xi32, #tpu.memory_space<hbm>> -> memref<80xi32, #tpu.memory_space<hbm>>
        %dma_wait3A_256 = arith.constant 0 : i32
        %dma_wait3A_257 = tpu.memref_slice %arg12[%dma_wait3A, %dma_wait3A_256] : memref<2x80xi32, #tpu.memory_space<vmem>> -> memref<1x80xi32, #tpu.memory_space<vmem>>
        %dma_wait3A_258 = tpu.memref_squeeze %dma_wait3A_257 : memref<1x80xi32, #tpu.memory_space<vmem>> -> memref<80xi32, #tpu.memory_space<vmem>>
        %dma_wait3A_259 = arith.constant 0 : i32
        %dma_wait3A_260 = tpu.memref_slice %arg3[%add3A_247, %dma_wait3A_259] : memref<4000x80xi32, #tpu.memory_space<hbm>> -> memref<1x80xi32, #tpu.memory_space<hbm>>
        %dma_wait3A_261 = tpu.memref_squeeze %dma_wait3A_260 : memref<1x80xi32, #tpu.memory_space<hbm>> -> memref<80xi32, #tpu.memory_space<hbm>>
        tpu.wait_dma2 semaphore(%arg18 : memref<!tpu.dma_semaphore, #tpu.memory_space<semaphore_mem>>) src(%dma_wait3A_261 : memref<80xi32, #tpu.memory_space<hbm>>) dst(%dma_wait3A_258 : memref<80xi32, #tpu.memory_space<vmem>>)
        %dma_wait3A_262 = arith.constant 1 : i32
        %dma_wait3A_263 = arith.constant 0 : i32
        %dma_wait3A_264 = tpu.memref_slice %arg12[%dma_wait3A_262, %dma_wait3A_263] : memref<2x80xi32, #tpu.memory_space<vmem>> -> memref<1x80xi32, #tpu.memory_space<vmem>>
        %dma_wait3A_265 = tpu.memref_squeeze %dma_wait3A_264 : memref<1x80xi32, #tpu.memory_space<vmem>> -> memref<80xi32, #tpu.memory_space<vmem>>
        %dma_wait3A_266 = arith.constant 0 : i32
        %dma_wait3A_267 = tpu.memref_slice %arg4[%add3A_247, %dma_wait3A_266] : memref<4000x80xi32, #tpu.memory_space<hbm>> -> memref<1x80xi32, #tpu.memory_space<hbm>>
        %dma_wait3A_268 = tpu.memref_squeeze %dma_wait3A_267 : memref<1x80xi32, #tpu.memory_space<hbm>> -> memref<80xi32, #tpu.memory_space<hbm>>
        %dma_wait3A_269 = arith.constant 0 : i32
        %dma_wait3A_270 = tpu.memref_slice %arg12[%dma_wait3A_262, %dma_wait3A_269] : memref<2x80xi32, #tpu.memory_space<vmem>> -> memref<1x80xi32, #tpu.memory_space<vmem>>
        %dma_wait3A_271 = tpu.memref_squeeze %dma_wait3A_270 : memref<1x80xi32, #tpu.memory_space<vmem>> -> memref<80xi32, #tpu.memory_space<vmem>>
        %dma_wait3A_272 = arith.constant 0 : i32
        %dma_wait3A_273 = tpu.memref_slice %arg4[%add3A_247, %dma_wait3A_272] : memref<4000x80xi32, #tpu.memory_space<hbm>> -> memref<1x80xi32, #tpu.memory_space<hbm>>
        %dma_wait3A_274 = tpu.memref_squeeze %dma_wait3A_273 : memref<1x80xi32, #tpu.memory_space<hbm>> -> memref<80xi32, #tpu.memory_space<hbm>>
        tpu.wait_dma2 semaphore(%arg18 : memref<!tpu.dma_semaphore, #tpu.memory_space<semaphore_mem>>) src(%dma_wait3A_274 : memref<80xi32, #tpu.memory_space<hbm>>) dst(%dma_wait3A_271 : memref<80xi32, #tpu.memory_space<vmem>>)
        %dma_wait3A_275 = tpu.memref_slice %arg2[%mul3A_249, %mul3A_0] : memref<320000x128xf32, #tpu.memory_space<hbm>> -> memref<80x64xf32, #tpu.memory_space<hbm>>
        %dma_wait3A_276 = tpu.memref_slice %arg2[%mul3A_249, %mul3A_0] : memref<320000x128xf32, #tpu.memory_space<hbm>> -> memref<80x64xf32, #tpu.memory_space<hbm>>
        tpu.wait_dma2 semaphore(%arg18 : memref<!tpu.dma_semaphore, #tpu.memory_space<semaphore_mem>>) src(%dma_wait3A_276 : memref<80x64xf32, #tpu.memory_space<hbm>>) dst(%arg8 : memref<80x64xf32, #tpu.memory_space<vmem>>)
        %dma_start3A_277 = arith.constant 0 : i32
        %dma_start3A_278 = arith.constant 0 : i32
        %dma_start3A_279 = tpu.memref_slice %arg12[%dma_start3A_277, %dma_start3A_278] : memref<2x80xi32, #tpu.memory_space<vmem>> -> memref<1x80xi32, #tpu.memory_space<vmem>>
        %dma_start3A_280 = tpu.memref_squeeze %dma_start3A_279 : memref<1x80xi32, #tpu.memory_space<vmem>> -> memref<80xi32, #tpu.memory_space<vmem>>
        %dma_start3A_281 = arith.constant 0 : i32
        %dma_start3A_282 = arith.constant 0 : i32
        %dma_start3A_283 = tpu.memref_slice %arg6[%dma_start3A_281, %dma_start3A_282] : memref<10000x64xf32, #tpu.memory_space<vmem_shared>> -> memref<10000x64xf32, #tpu.memory_space<vmem_shared>>
        tpu.enqueue_indirect_dma source(%arg8 : memref<80x64xf32, #tpu.memory_space<vmem>>) target(%dma_start3A_283 : memref<10000x64xf32, #tpu.memory_space<vmem_shared>>) offsets(%dma_start3A_280 : memref<80xi32, #tpu.memory_space<vmem>>) semaphore(%arg22 : memref<!tpu.dma_semaphore, #tpu.memory_space<semaphore_mem>>) {add = true}
        %dma_start3A_284 = arith.constant 1 : i32
        %dma_start3A_285 = arith.constant 0 : i32
        %dma_start3A_286 = tpu.memref_slice %arg12[%dma_start3A_284, %dma_start3A_285] : memref<2x80xi32, #tpu.memory_space<vmem>> -> memref<1x80xi32, #tpu.memory_space<vmem>>
        %dma_start3A_287 = tpu.memref_squeeze %dma_start3A_286 : memref<1x80xi32, #tpu.memory_space<vmem>> -> memref<80xi32, #tpu.memory_space<vmem>>
        %dma_start3A_288 = arith.constant 0 : i32
        %dma_start3A_289 = arith.constant 0 : i32
        %dma_start3A_290 = tpu.memref_slice %arg7[%dma_start3A_288, %dma_start3A_289] : memref<10000x64xf32, #tpu.memory_space<vmem_shared>> -> memref<10000x64xf32, #tpu.memory_space<vmem_shared>>
        tpu.enqueue_indirect_dma source(%arg8 : memref<80x64xf32, #tpu.memory_space<vmem>>) target(%dma_start3A_290 : memref<10000x64xf32, #tpu.memory_space<vmem_shared>>) offsets(%dma_start3A_287 : memref<80xi32, #tpu.memory_space<vmem>>) semaphore(%arg22 : memref<!tpu.dma_semaphore, #tpu.memory_space<semaphore_mem>>) {add = true}
      } else {
      }
      %mul3A_174 = arith.constant 4 : i32
      %mul3A_175 = arith.muli %scan3A_154, %mul3A_174 : i32
      %add3A_176 = arith.constant 1 : i32
      %add3A_177 = arith.addi %mul3A_175, %add3A_176 : i32
      %ge3A_178 = arith.constant 2 : i32
      %ge3A_179 = arith.cmpi sge, %add3A_177, %ge3A_178 : i32
      %le3A_180 = arith.constant 251 : i32
      %le3A_181 = arith.cmpi sle, %add3A_177, %le3A_180 : i32
      %and3A_182 = arith.andi %ge3A_179, %le3A_181 : i1
      %convert_element_type3A_183 = arith.extui %and3A_182 : i1 to i32
      %cond3A_184 = arith.constant 0 : i32
      %cond3A_185 = arith.cmpi ne, %convert_element_type3A_183, %cond3A_184 : i32
      scf.if %cond3A_185 {
        %dma_wait3A = arith.constant 0 : i32
        %dma_wait3A_247 = arith.constant 0 : i32
        %dma_wait3A_248 = tpu.memref_slice %arg15[%dma_wait3A, %dma_wait3A_247] : memref<2x80xi32, #tpu.memory_space<vmem>> -> memref<1x80xi32, #tpu.memory_space<vmem>>
        %dma_wait3A_249 = tpu.memref_squeeze %dma_wait3A_248 : memref<1x80xi32, #tpu.memory_space<vmem>> -> memref<80xi32, #tpu.memory_space<vmem>>
        %dma_wait3A_250 = arith.constant 0 : i32
        %dma_wait3A_251 = arith.constant 0 : i32
        %dma_wait3A_252 = tpu.memref_slice %arg6[%dma_wait3A_250, %dma_wait3A_251] : memref<10000x64xf32, #tpu.memory_space<vmem_shared>> -> memref<10000x64xf32, #tpu.memory_space<vmem_shared>>
        tpu.wait_indirect_dma semaphore(%arg25 : memref<!tpu.dma_semaphore, #tpu.memory_space<semaphore_mem>>) src(%arg11 : memref<80x64xf32, #tpu.memory_space<vmem>>) dst(%dma_wait3A_252 : memref<10000x64xf32, #tpu.memory_space<vmem_shared>>)
        %dma_wait3A_253 = arith.constant 1 : i32
        %dma_wait3A_254 = arith.constant 0 : i32
        %dma_wait3A_255 = tpu.memref_slice %arg15[%dma_wait3A_253, %dma_wait3A_254] : memref<2x80xi32, #tpu.memory_space<vmem>> -> memref<1x80xi32, #tpu.memory_space<vmem>>
        %dma_wait3A_256 = tpu.memref_squeeze %dma_wait3A_255 : memref<1x80xi32, #tpu.memory_space<vmem>> -> memref<80xi32, #tpu.memory_space<vmem>>
        %dma_wait3A_257 = arith.constant 0 : i32
        %dma_wait3A_258 = arith.constant 0 : i32
        %dma_wait3A_259 = tpu.memref_slice %arg7[%dma_wait3A_257, %dma_wait3A_258] : memref<10000x64xf32, #tpu.memory_space<vmem_shared>> -> memref<10000x64xf32, #tpu.memory_space<vmem_shared>>
        tpu.wait_indirect_dma semaphore(%arg25 : memref<!tpu.dma_semaphore, #tpu.memory_space<semaphore_mem>>) src(%arg11 : memref<80x64xf32, #tpu.memory_space<vmem>>) dst(%dma_wait3A_259 : memref<10000x64xf32, #tpu.memory_space<vmem_shared>>)
      } else {
      }
      %add3A_186 = arith.constant 2 : i32
      %add3A_187 = arith.addi %add3A_177, %add3A_186 : i32
      %lt3A_188 = arith.constant 250 : i32
      %lt3A_189 = arith.cmpi slt, %add3A_187, %lt3A_188 : i32
      %convert_element_type3A_190 = arith.extui %lt3A_189 : i1 to i32
      %cond3A_191 = arith.constant 0 : i32
      %cond3A_192 = arith.cmpi ne, %convert_element_type3A_190, %cond3A_191 : i32
      scf.if %cond3A_192 {
        %add3A_247 = arith.constant 2 : i32
        %add3A_248 = arith.addi %add3A_177, %add3A_247 : i32
        %add3A_249 = arith.addi %mul3A_2, %add3A_248 : i32
        %mul3A_250 = arith.constant 80 : i32
        %mul3A_251 = arith.muli %add3A_249, %mul3A_250 : i32
        %dma_start3A_252 = arith.constant 0 : i32
        %dma_start3A_253 = arith.constant 0 : i32
        %dma_start3A_254 = tpu.memref_slice %arg15[%dma_start3A_252, %dma_start3A_253] : memref<2x80xi32, #tpu.memory_space<vmem>> -> memref<1x80xi32, #tpu.memory_space<vmem>>
        %dma_start3A_255 = tpu.memref_squeeze %dma_start3A_254 : memref<1x80xi32, #tpu.memory_space<vmem>> -> memref<80xi32, #tpu.memory_space<vmem>>
        %dma_start3A_256 = arith.constant 0 : i32
        %dma_start3A_257 = tpu.memref_slice %arg3[%add3A_249, %dma_start3A_256] : memref<4000x80xi32, #tpu.memory_space<hbm>> -> memref<1x80xi32, #tpu.memory_space<hbm>>
        %dma_start3A_258 = tpu.memref_squeeze %dma_start3A_257 : memref<1x80xi32, #tpu.memory_space<hbm>> -> memref<80xi32, #tpu.memory_space<hbm>>
        %dma_start3A_259 = arith.constant 0 : i32
        %dma_start3A_260 = tpu.memref_slice %arg15[%dma_start3A_252, %dma_start3A_259] : memref<2x80xi32, #tpu.memory_space<vmem>> -> memref<1x80xi32, #tpu.memory_space<vmem>>
        %dma_start3A_261 = tpu.memref_squeeze %dma_start3A_260 : memref<1x80xi32, #tpu.memory_space<vmem>> -> memref<80xi32, #tpu.memory_space<vmem>>
        %dma_start3A_262 = arith.constant 0 : i32
        %dma_start3A_263 = tpu.memref_slice %arg3[%add3A_249, %dma_start3A_262] : memref<4000x80xi32, #tpu.memory_space<hbm>> -> memref<1x80xi32, #tpu.memory_space<hbm>>
        %dma_start3A_264 = tpu.memref_squeeze %dma_start3A_263 : memref<1x80xi32, #tpu.memory_space<hbm>> -> memref<80xi32, #tpu.memory_space<hbm>>
        tpu.enqueue_dma source(%dma_start3A_264 : memref<80xi32, #tpu.memory_space<hbm>>) target(%dma_start3A_261 : memref<80xi32, #tpu.memory_space<vmem>>) target_semaphore(%arg21 : memref<!tpu.dma_semaphore, #tpu.memory_space<semaphore_mem>>)
        %dma_start3A_265 = arith.constant 1 : i32
        %dma_start3A_266 = arith.constant 0 : i32
        %dma_start3A_267 = tpu.memref_slice %arg15[%dma_start3A_265, %dma_start3A_266] : memref<2x80xi32, #tpu.memory_space<vmem>> -> memref<1x80xi32, #tpu.memory_space<vmem>>
        %dma_start3A_268 = tpu.memref_squeeze %dma_start3A_267 : memref<1x80xi32, #tpu.memory_space<vmem>> -> memref<80xi32, #tpu.memory_space<vmem>>
        %dma_start3A_269 = arith.constant 0 : i32
        %dma_start3A_270 = tpu.memref_slice %arg4[%add3A_249, %dma_start3A_269] : memref<4000x80xi32, #tpu.memory_space<hbm>> -> memref<1x80xi32, #tpu.memory_space<hbm>>
        %dma_start3A_271 = tpu.memref_squeeze %dma_start3A_270 : memref<1x80xi32, #tpu.memory_space<hbm>> -> memref<80xi32, #tpu.memory_space<hbm>>
        %dma_start3A_272 = arith.constant 0 : i32
        %dma_start3A_273 = tpu.memref_slice %arg15[%dma_start3A_265, %dma_start3A_272] : memref<2x80xi32, #tpu.memory_space<vmem>> -> memref<1x80xi32, #tpu.memory_space<vmem>>
        %dma_start3A_274 = tpu.memref_squeeze %dma_start3A_273 : memref<1x80xi32, #tpu.memory_space<vmem>> -> memref<80xi32, #tpu.memory_space<vmem>>
        %dma_start3A_275 = arith.constant 0 : i32
        %dma_start3A_276 = tpu.memref_slice %arg4[%add3A_249, %dma_start3A_275] : memref<4000x80xi32, #tpu.memory_space<hbm>> -> memref<1x80xi32, #tpu.memory_space<hbm>>
        %dma_start3A_277 = tpu.memref_squeeze %dma_start3A_276 : memref<1x80xi32, #tpu.memory_space<hbm>> -> memref<80xi32, #tpu.memory_space<hbm>>
        tpu.enqueue_dma source(%dma_start3A_277 : memref<80xi32, #tpu.memory_space<hbm>>) target(%dma_start3A_274 : memref<80xi32, #tpu.memory_space<vmem>>) target_semaphore(%arg21 : memref<!tpu.dma_semaphore, #tpu.memory_space<semaphore_mem>>)
        %dma_start3A_278 = tpu.memref_slice %arg2[%mul3A_251, %mul3A_0] : memref<320000x128xf32, #tpu.memory_space<hbm>> -> memref<80x64xf32, #tpu.memory_space<hbm>>
        %dma_start3A_279 = tpu.memref_slice %arg2[%mul3A_251, %mul3A_0] : memref<320000x128xf32, #tpu.memory_space<hbm>> -> memref<80x64xf32, #tpu.memory_space<hbm>>
        tpu.enqueue_dma source(%dma_start3A_279 : memref<80x64xf32, #tpu.memory_space<hbm>>) target(%arg11 : memref<80x64xf32, #tpu.memory_space<vmem>>) target_semaphore(%arg21 : memref<!tpu.dma_semaphore, #tpu.memory_space<semaphore_mem>>)
      } else {
      }
      %lt3A_193 = arith.constant 250 : i32
      %lt3A_194 = arith.cmpi slt, %add3A_177, %lt3A_193 : i32
      %convert_element_type3A_195 = arith.extui %lt3A_194 : i1 to i32
      %cond3A_196 = arith.constant 0 : i32
      %cond3A_197 = arith.cmpi ne, %convert_element_type3A_195, %cond3A_196 : i32
      scf.if %cond3A_197 {
        %add3A_247 = arith.addi %mul3A_2, %add3A_177 : i32
        %mul3A_248 = arith.constant 80 : i32
        %mul3A_249 = arith.muli %add3A_247, %mul3A_248 : i32
        %dma_wait3A = arith.constant 0 : i32
        %dma_wait3A_250 = arith.constant 0 : i32
        %dma_wait3A_251 = tpu.memref_slice %arg13[%dma_wait3A, %dma_wait3A_250] : memref<2x80xi32, #tpu.memory_space<vmem>> -> memref<1x80xi32, #tpu.memory_space<vmem>>
        %dma_wait3A_252 = tpu.memref_squeeze %dma_wait3A_251 : memref<1x80xi32, #tpu.memory_space<vmem>> -> memref<80xi32, #tpu.memory_space<vmem>>
        %dma_wait3A_253 = arith.constant 0 : i32
        %dma_wait3A_254 = tpu.memref_slice %arg3[%add3A_247, %dma_wait3A_253] : memref<4000x80xi32, #tpu.memory_space<hbm>> -> memref<1x80xi32, #tpu.memory_space<hbm>>
        %dma_wait3A_255 = tpu.memref_squeeze %dma_wait3A_254 : memref<1x80xi32, #tpu.memory_space<hbm>> -> memref<80xi32, #tpu.memory_space<hbm>>
        %dma_wait3A_256 = arith.constant 0 : i32
        %dma_wait3A_257 = tpu.memref_slice %arg13[%dma_wait3A, %dma_wait3A_256] : memref<2x80xi32, #tpu.memory_space<vmem>> -> memref<1x80xi32, #tpu.memory_space<vmem>>
        %dma_wait3A_258 = tpu.memref_squeeze %dma_wait3A_257 : memref<1x80xi32, #tpu.memory_space<vmem>> -> memref<80xi32, #tpu.memory_space<vmem>>
        %dma_wait3A_259 = arith.constant 0 : i32
        %dma_wait3A_260 = tpu.memref_slice %arg3[%add3A_247, %dma_wait3A_259] : memref<4000x80xi32, #tpu.memory_space<hbm>> -> memref<1x80xi32, #tpu.memory_space<hbm>>
        %dma_wait3A_261 = tpu.memref_squeeze %dma_wait3A_260 : memref<1x80xi32, #tpu.memory_space<hbm>> -> memref<80xi32, #tpu.memory_space<hbm>>
        tpu.wait_dma2 semaphore(%arg19 : memref<!tpu.dma_semaphore, #tpu.memory_space<semaphore_mem>>) src(%dma_wait3A_261 : memref<80xi32, #tpu.memory_space<hbm>>) dst(%dma_wait3A_258 : memref<80xi32, #tpu.memory_space<vmem>>)
        %dma_wait3A_262 = arith.constant 1 : i32
        %dma_wait3A_263 = arith.constant 0 : i32
        %dma_wait3A_264 = tpu.memref_slice %arg13[%dma_wait3A_262, %dma_wait3A_263] : memref<2x80xi32, #tpu.memory_space<vmem>> -> memref<1x80xi32, #tpu.memory_space<vmem>>
        %dma_wait3A_265 = tpu.memref_squeeze %dma_wait3A_264 : memref<1x80xi32, #tpu.memory_space<vmem>> -> memref<80xi32, #tpu.memory_space<vmem>>
        %dma_wait3A_266 = arith.constant 0 : i32
        %dma_wait3A_267 = tpu.memref_slice %arg4[%add3A_247, %dma_wait3A_266] : memref<4000x80xi32, #tpu.memory_space<hbm>> -> memref<1x80xi32, #tpu.memory_space<hbm>>
        %dma_wait3A_268 = tpu.memref_squeeze %dma_wait3A_267 : memref<1x80xi32, #tpu.memory_space<hbm>> -> memref<80xi32, #tpu.memory_space<hbm>>
        %dma_wait3A_269 = arith.constant 0 : i32
        %dma_wait3A_270 = tpu.memref_slice %arg13[%dma_wait3A_262, %dma_wait3A_269] : memref<2x80xi32, #tpu.memory_space<vmem>> -> memref<1x80xi32, #tpu.memory_space<vmem>>
        %dma_wait3A_271 = tpu.memref_squeeze %dma_wait3A_270 : memref<1x80xi32, #tpu.memory_space<vmem>> -> memref<80xi32, #tpu.memory_space<vmem>>
        %dma_wait3A_272 = arith.constant 0 : i32
        %dma_wait3A_273 = tpu.memref_slice %arg4[%add3A_247, %dma_wait3A_272] : memref<4000x80xi32, #tpu.memory_space<hbm>> -> memref<1x80xi32, #tpu.memory_space<hbm>>
        %dma_wait3A_274 = tpu.memref_squeeze %dma_wait3A_273 : memref<1x80xi32, #tpu.memory_space<hbm>> -> memref<80xi32, #tpu.memory_space<hbm>>
        tpu.wait_dma2 semaphore(%arg19 : memref<!tpu.dma_semaphore, #tpu.memory_space<semaphore_mem>>) src(%dma_wait3A_274 : memref<80xi32, #tpu.memory_space<hbm>>) dst(%dma_wait3A_271 : memref<80xi32, #tpu.memory_space<vmem>>)
        %dma_wait3A_275 = tpu.memref_slice %arg2[%mul3A_249, %mul3A_0] : memref<320000x128xf32, #tpu.memory_space<hbm>> -> memref<80x64xf32, #tpu.memory_space<hbm>>
        %dma_wait3A_276 = tpu.memref_slice %arg2[%mul3A_249, %mul3A_0] : memref<320000x128xf32, #tpu.memory_space<hbm>> -> memref<80x64xf32, #tpu.memory_space<hbm>>
        tpu.wait_dma2 semaphore(%arg19 : memref<!tpu.dma_semaphore, #tpu.memory_space<semaphore_mem>>) src(%dma_wait3A_276 : memref<80x64xf32, #tpu.memory_space<hbm>>) dst(%arg9 : memref<80x64xf32, #tpu.memory_space<vmem>>)
        %dma_start3A_277 = arith.constant 0 : i32
        %dma_start3A_278 = arith.constant 0 : i32
        %dma_start3A_279 = tpu.memref_slice %arg13[%dma_start3A_277, %dma_start3A_278] : memref<2x80xi32, #tpu.memory_space<vmem>> -> memref<1x80xi32, #tpu.memory_space<vmem>>
        %dma_start3A_280 = tpu.memref_squeeze %dma_start3A_279 : memref<1x80xi32, #tpu.memory_space<vmem>> -> memref<80xi32, #tpu.memory_space<vmem>>
        %dma_start3A_281 = arith.constant 0 : i32
        %dma_start3A_282 = arith.constant 0 : i32
        %dma_start3A_283 = tpu.memref_slice %arg6[%dma_start3A_281, %dma_start3A_282] : memref<10000x64xf32, #tpu.memory_space<vmem_shared>> -> memref<10000x64xf32, #tpu.memory_space<vmem_shared>>
        tpu.enqueue_indirect_dma source(%arg9 : memref<80x64xf32, #tpu.memory_space<vmem>>) target(%dma_start3A_283 : memref<10000x64xf32, #tpu.memory_space<vmem_shared>>) offsets(%dma_start3A_280 : memref<80xi32, #tpu.memory_space<vmem>>) semaphore(%arg23 : memref<!tpu.dma_semaphore, #tpu.memory_space<semaphore_mem>>) {add = true}
        %dma_start3A_284 = arith.constant 1 : i32
        %dma_start3A_285 = arith.constant 0 : i32
        %dma_start3A_286 = tpu.memref_slice %arg13[%dma_start3A_284, %dma_start3A_285] : memref<2x80xi32, #tpu.memory_space<vmem>> -> memref<1x80xi32, #tpu.memory_space<vmem>>
        %dma_start3A_287 = tpu.memref_squeeze %dma_start3A_286 : memref<1x80xi32, #tpu.memory_space<vmem>> -> memref<80xi32, #tpu.memory_space<vmem>>
        %dma_start3A_288 = arith.constant 0 : i32
        %dma_start3A_289 = arith.constant 0 : i32
        %dma_start3A_290 = tpu.memref_slice %arg7[%dma_start3A_288, %dma_start3A_289] : memref<10000x64xf32, #tpu.memory_space<vmem_shared>> -> memref<10000x64xf32, #tpu.memory_space<vmem_shared>>
        tpu.enqueue_indirect_dma source(%arg9 : memref<80x64xf32, #tpu.memory_space<vmem>>) target(%dma_start3A_290 : memref<10000x64xf32, #tpu.memory_space<vmem_shared>>) offsets(%dma_start3A_287 : memref<80xi32, #tpu.memory_space<vmem>>) semaphore(%arg23 : memref<!tpu.dma_semaphore, #tpu.memory_space<semaphore_mem>>) {add = true}
      } else {
      }
      %mul3A_198 = arith.constant 4 : i32
      %mul3A_199 = arith.muli %scan3A_154, %mul3A_198 : i32
      %add3A_200 = arith.constant 2 : i32
      %add3A_201 = arith.addi %mul3A_199, %add3A_200 : i32
      %ge3A_202 = arith.constant 2 : i32
      %ge3A_203 = arith.cmpi sge, %add3A_201, %ge3A_202 : i32
      %le3A_204 = arith.constant 251 : i32
      %le3A_205 = arith.cmpi sle, %add3A_201, %le3A_204 : i32
      %and3A_206 = arith.andi %ge3A_203, %le3A_205 : i1
      %convert_element_type3A_207 = arith.extui %and3A_206 : i1 to i32
      %cond3A_208 = arith.constant 0 : i32
      %cond3A_209 = arith.cmpi ne, %convert_element_type3A_207, %cond3A_208 : i32
      scf.if %cond3A_209 {
        %dma_wait3A = arith.constant 0 : i32
        %dma_wait3A_247 = arith.constant 0 : i32
        %dma_wait3A_248 = tpu.memref_slice %arg12[%dma_wait3A, %dma_wait3A_247] : memref<2x80xi32, #tpu.memory_space<vmem>> -> memref<1x80xi32, #tpu.memory_space<vmem>>
        %dma_wait3A_249 = tpu.memref_squeeze %dma_wait3A_248 : memref<1x80xi32, #tpu.memory_space<vmem>> -> memref<80xi32, #tpu.memory_space<vmem>>
        %dma_wait3A_250 = arith.constant 0 : i32
        %dma_wait3A_251 = arith.constant 0 : i32
        %dma_wait3A_252 = tpu.memref_slice %arg6[%dma_wait3A_250, %dma_wait3A_251] : memref<10000x64xf32, #tpu.memory_space<vmem_shared>> -> memref<10000x64xf32, #tpu.memory_space<vmem_shared>>
        tpu.wait_indirect_dma semaphore(%arg22 : memref<!tpu.dma_semaphore, #tpu.memory_space<semaphore_mem>>) src(%arg8 : memref<80x64xf32, #tpu.memory_space<vmem>>) dst(%dma_wait3A_252 : memref<10000x64xf32, #tpu.memory_space<vmem_shared>>)
        %dma_wait3A_253 = arith.constant 1 : i32
        %dma_wait3A_254 = arith.constant 0 : i32
        %dma_wait3A_255 = tpu.memref_slice %arg12[%dma_wait3A_253, %dma_wait3A_254] : memref<2x80xi32, #tpu.memory_space<vmem>> -> memref<1x80xi32, #tpu.memory_space<vmem>>
        %dma_wait3A_256 = tpu.memref_squeeze %dma_wait3A_255 : memref<1x80xi32, #tpu.memory_space<vmem>> -> memref<80xi32, #tpu.memory_space<vmem>>
        %dma_wait3A_257 = arith.constant 0 : i32
        %dma_wait3A_258 = arith.constant 0 : i32
        %dma_wait3A_259 = tpu.memref_slice %arg7[%dma_wait3A_257, %dma_wait3A_258] : memref<10000x64xf32, #tpu.memory_space<vmem_shared>> -> memref<10000x64xf32, #tpu.memory_space<vmem_shared>>
        tpu.wait_indirect_dma semaphore(%arg22 : memref<!tpu.dma_semaphore, #tpu.memory_space<semaphore_mem>>) src(%arg8 : memref<80x64xf32, #tpu.memory_space<vmem>>) dst(%dma_wait3A_259 : memref<10000x64xf32, #tpu.memory_space<vmem_shared>>)
      } else {
      }
      %add3A_210 = arith.constant 2 : i32
      %add3A_211 = arith.addi %add3A_201, %add3A_210 : i32
      %lt3A_212 = arith.constant 250 : i32
      %lt3A_213 = arith.cmpi slt, %add3A_211, %lt3A_212 : i32
      %convert_element_type3A_214 = arith.extui %lt3A_213 : i1 to i32
      %cond3A_215 = arith.constant 0 : i32
      %cond3A_216 = arith.cmpi ne, %convert_element_type3A_214, %cond3A_215 : i32
      scf.if %cond3A_216 {
        %add3A_247 = arith.constant 2 : i32
        %add3A_248 = arith.addi %add3A_201, %add3A_247 : i32
        %add3A_249 = arith.addi %mul3A_2, %add3A_248 : i32
        %mul3A_250 = arith.constant 80 : i32
        %mul3A_251 = arith.muli %add3A_249, %mul3A_250 : i32
        %dma_start3A_252 = arith.constant 0 : i32
        %dma_start3A_253 = arith.constant 0 : i32
        %dma_start3A_254 = tpu.memref_slice %arg12[%dma_start3A_252, %dma_start3A_253] : memref<2x80xi32, #tpu.memory_space<vmem>> -> memref<1x80xi32, #tpu.memory_space<vmem>>
        %dma_start3A_255 = tpu.memref_squeeze %dma_start3A_254 : memref<1x80xi32, #tpu.memory_space<vmem>> -> memref<80xi32, #tpu.memory_space<vmem>>
        %dma_start3A_256 = arith.constant 0 : i32
        %dma_start3A_257 = tpu.memref_slice %arg3[%add3A_249, %dma_start3A_256] : memref<4000x80xi32, #tpu.memory_space<hbm>> -> memref<1x80xi32, #tpu.memory_space<hbm>>
        %dma_start3A_258 = tpu.memref_squeeze %dma_start3A_257 : memref<1x80xi32, #tpu.memory_space<hbm>> -> memref<80xi32, #tpu.memory_space<hbm>>
        %dma_start3A_259 = arith.constant 0 : i32
        %dma_start3A_260 = tpu.memref_slice %arg12[%dma_start3A_252, %dma_start3A_259] : memref<2x80xi32, #tpu.memory_space<vmem>> -> memref<1x80xi32, #tpu.memory_space<vmem>>
        %dma_start3A_261 = tpu.memref_squeeze %dma_start3A_260 : memref<1x80xi32, #tpu.memory_space<vmem>> -> memref<80xi32, #tpu.memory_space<vmem>>
        %dma_start3A_262 = arith.constant 0 : i32
        %dma_start3A_263 = tpu.memref_slice %arg3[%add3A_249, %dma_start3A_262] : memref<4000x80xi32, #tpu.memory_space<hbm>> -> memref<1x80xi32, #tpu.memory_space<hbm>>
        %dma_start3A_264 = tpu.memref_squeeze %dma_start3A_263 : memref<1x80xi32, #tpu.memory_space<hbm>> -> memref<80xi32, #tpu.memory_space<hbm>>
        tpu.enqueue_dma source(%dma_start3A_264 : memref<80xi32, #tpu.memory_space<hbm>>) target(%dma_start3A_261 : memref<80xi32, #tpu.memory_space<vmem>>) target_semaphore(%arg18 : memref<!tpu.dma_semaphore, #tpu.memory_space<semaphore_mem>>)
        %dma_start3A_265 = arith.constant 1 : i32
        %dma_start3A_266 = arith.constant 0 : i32
        %dma_start3A_267 = tpu.memref_slice %arg12[%dma_start3A_265, %dma_start3A_266] : memref<2x80xi32, #tpu.memory_space<vmem>> -> memref<1x80xi32, #tpu.memory_space<vmem>>
        %dma_start3A_268 = tpu.memref_squeeze %dma_start3A_267 : memref<1x80xi32, #tpu.memory_space<vmem>> -> memref<80xi32, #tpu.memory_space<vmem>>
        %dma_start3A_269 = arith.constant 0 : i32
        %dma_start3A_270 = tpu.memref_slice %arg4[%add3A_249, %dma_start3A_269] : memref<4000x80xi32, #tpu.memory_space<hbm>> -> memref<1x80xi32, #tpu.memory_space<hbm>>
        %dma_start3A_271 = tpu.memref_squeeze %dma_start3A_270 : memref<1x80xi32, #tpu.memory_space<hbm>> -> memref<80xi32, #tpu.memory_space<hbm>>
        %dma_start3A_272 = arith.constant 0 : i32
        %dma_start3A_273 = tpu.memref_slice %arg12[%dma_start3A_265, %dma_start3A_272] : memref<2x80xi32, #tpu.memory_space<vmem>> -> memref<1x80xi32, #tpu.memory_space<vmem>>
        %dma_start3A_274 = tpu.memref_squeeze %dma_start3A_273 : memref<1x80xi32, #tpu.memory_space<vmem>> -> memref<80xi32, #tpu.memory_space<vmem>>
        %dma_start3A_275 = arith.constant 0 : i32
        %dma_start3A_276 = tpu.memref_slice %arg4[%add3A_249, %dma_start3A_275] : memref<4000x80xi32, #tpu.memory_space<hbm>> -> memref<1x80xi32, #tpu.memory_space<hbm>>
        %dma_start3A_277 = tpu.memref_squeeze %dma_start3A_276 : memref<1x80xi32, #tpu.memory_space<hbm>> -> memref<80xi32, #tpu.memory_space<hbm>>
        tpu.enqueue_dma source(%dma_start3A_277 : memref<80xi32, #tpu.memory_space<hbm>>) target(%dma_start3A_274 : memref<80xi32, #tpu.memory_space<vmem>>) target_semaphore(%arg18 : memref<!tpu.dma_semaphore, #tpu.memory_space<semaphore_mem>>)
        %dma_start3A_278 = tpu.memref_slice %arg2[%mul3A_251, %mul3A_0] : memref<320000x128xf32, #tpu.memory_space<hbm>> -> memref<80x64xf32, #tpu.memory_space<hbm>>
        %dma_start3A_279 = tpu.memref_slice %arg2[%mul3A_251, %mul3A_0] : memref<320000x128xf32, #tpu.memory_space<hbm>> -> memref<80x64xf32, #tpu.memory_space<hbm>>
        tpu.enqueue_dma source(%dma_start3A_279 : memref<80x64xf32, #tpu.memory_space<hbm>>) target(%arg8 : memref<80x64xf32, #tpu.memory_space<vmem>>) target_semaphore(%arg18 : memref<!tpu.dma_semaphore, #tpu.memory_space<semaphore_mem>>)
      } else {
      }
      %lt3A_217 = arith.constant 250 : i32
      %lt3A_218 = arith.cmpi slt, %add3A_201, %lt3A_217 : i32
      %convert_element_type3A_219 = arith.extui %lt3A_218 : i1 to i32
      %cond3A_220 = arith.constant 0 : i32
      %cond3A_221 = arith.cmpi ne, %convert_element_type3A_219, %cond3A_220 : i32
      scf.if %cond3A_221 {
        %add3A_247 = arith.addi %mul3A_2, %add3A_201 : i32
        %mul3A_248 = arith.constant 80 : i32
        %mul3A_249 = arith.muli %add3A_247, %mul3A_248 : i32
        %dma_wait3A = arith.constant 0 : i32
        %dma_wait3A_250 = arith.constant 0 : i32
        %dma_wait3A_251 = tpu.memref_slice %arg14[%dma_wait3A, %dma_wait3A_250] : memref<2x80xi32, #tpu.memory_space<vmem>> -> memref<1x80xi32, #tpu.memory_space<vmem>>
        %dma_wait3A_252 = tpu.memref_squeeze %dma_wait3A_251 : memref<1x80xi32, #tpu.memory_space<vmem>> -> memref<80xi32, #tpu.memory_space<vmem>>
        %dma_wait3A_253 = arith.constant 0 : i32
        %dma_wait3A_254 = tpu.memref_slice %arg3[%add3A_247, %dma_wait3A_253] : memref<4000x80xi32, #tpu.memory_space<hbm>> -> memref<1x80xi32, #tpu.memory_space<hbm>>
        %dma_wait3A_255 = tpu.memref_squeeze %dma_wait3A_254 : memref<1x80xi32, #tpu.memory_space<hbm>> -> memref<80xi32, #tpu.memory_space<hbm>>
        %dma_wait3A_256 = arith.constant 0 : i32
        %dma_wait3A_257 = tpu.memref_slice %arg14[%dma_wait3A, %dma_wait3A_256] : memref<2x80xi32, #tpu.memory_space<vmem>> -> memref<1x80xi32, #tpu.memory_space<vmem>>
        %dma_wait3A_258 = tpu.memref_squeeze %dma_wait3A_257 : memref<1x80xi32, #tpu.memory_space<vmem>> -> memref<80xi32, #tpu.memory_space<vmem>>
        %dma_wait3A_259 = arith.constant 0 : i32
        %dma_wait3A_260 = tpu.memref_slice %arg3[%add3A_247, %dma_wait3A_259] : memref<4000x80xi32, #tpu.memory_space<hbm>> -> memref<1x80xi32, #tpu.memory_space<hbm>>
        %dma_wait3A_261 = tpu.memref_squeeze %dma_wait3A_260 : memref<1x80xi32, #tpu.memory_space<hbm>> -> memref<80xi32, #tpu.memory_space<hbm>>
        tpu.wait_dma2 semaphore(%arg20 : memref<!tpu.dma_semaphore, #tpu.memory_space<semaphore_mem>>) src(%dma_wait3A_261 : memref<80xi32, #tpu.memory_space<hbm>>) dst(%dma_wait3A_258 : memref<80xi32, #tpu.memory_space<vmem>>)
        %dma_wait3A_262 = arith.constant 1 : i32
        %dma_wait3A_263 = arith.constant 0 : i32
        %dma_wait3A_264 = tpu.memref_slice %arg14[%dma_wait3A_262, %dma_wait3A_263] : memref<2x80xi32, #tpu.memory_space<vmem>> -> memref<1x80xi32, #tpu.memory_space<vmem>>
        %dma_wait3A_265 = tpu.memref_squeeze %dma_wait3A_264 : memref<1x80xi32, #tpu.memory_space<vmem>> -> memref<80xi32, #tpu.memory_space<vmem>>
        %dma_wait3A_266 = arith.constant 0 : i32
        %dma_wait3A_267 = tpu.memref_slice %arg4[%add3A_247, %dma_wait3A_266] : memref<4000x80xi32, #tpu.memory_space<hbm>> -> memref<1x80xi32, #tpu.memory_space<hbm>>
        %dma_wait3A_268 = tpu.memref_squeeze %dma_wait3A_267 : memref<1x80xi32, #tpu.memory_space<hbm>> -> memref<80xi32, #tpu.memory_space<hbm>>
        %dma_wait3A_269 = arith.constant 0 : i32
        %dma_wait3A_270 = tpu.memref_slice %arg14[%dma_wait3A_262, %dma_wait3A_269] : memref<2x80xi32, #tpu.memory_space<vmem>> -> memref<1x80xi32, #tpu.memory_space<vmem>>
        %dma_wait3A_271 = tpu.memref_squeeze %dma_wait3A_270 : memref<1x80xi32, #tpu.memory_space<vmem>> -> memref<80xi32, #tpu.memory_space<vmem>>
        %dma_wait3A_272 = arith.constant 0 : i32
        %dma_wait3A_273 = tpu.memref_slice %arg4[%add3A_247, %dma_wait3A_272] : memref<4000x80xi32, #tpu.memory_space<hbm>> -> memref<1x80xi32, #tpu.memory_space<hbm>>
        %dma_wait3A_274 = tpu.memref_squeeze %dma_wait3A_273 : memref<1x80xi32, #tpu.memory_space<hbm>> -> memref<80xi32, #tpu.memory_space<hbm>>
        tpu.wait_dma2 semaphore(%arg20 : memref<!tpu.dma_semaphore, #tpu.memory_space<semaphore_mem>>) src(%dma_wait3A_274 : memref<80xi32, #tpu.memory_space<hbm>>) dst(%dma_wait3A_271 : memref<80xi32, #tpu.memory_space<vmem>>)
        %dma_wait3A_275 = tpu.memref_slice %arg2[%mul3A_249, %mul3A_0] : memref<320000x128xf32, #tpu.memory_space<hbm>> -> memref<80x64xf32, #tpu.memory_space<hbm>>
        %dma_wait3A_276 = tpu.memref_slice %arg2[%mul3A_249, %mul3A_0] : memref<320000x128xf32, #tpu.memory_space<hbm>> -> memref<80x64xf32, #tpu.memory_space<hbm>>
        tpu.wait_dma2 semaphore(%arg20 : memref<!tpu.dma_semaphore, #tpu.memory_space<semaphore_mem>>) src(%dma_wait3A_276 : memref<80x64xf32, #tpu.memory_space<hbm>>) dst(%arg10 : memref<80x64xf32, #tpu.memory_space<vmem>>)
        %dma_start3A_277 = arith.constant 0 : i32
        %dma_start3A_278 = arith.constant 0 : i32
        %dma_start3A_279 = tpu.memref_slice %arg14[%dma_start3A_277, %dma_start3A_278] : memref<2x80xi32, #tpu.memory_space<vmem>> -> memref<1x80xi32, #tpu.memory_space<vmem>>
        %dma_start3A_280 = tpu.memref_squeeze %dma_start3A_279 : memref<1x80xi32, #tpu.memory_space<vmem>> -> memref<80xi32, #tpu.memory_space<vmem>>
        %dma_start3A_281 = arith.constant 0 : i32
        %dma_start3A_282 = arith.constant 0 : i32
        %dma_start3A_283 = tpu.memref_slice %arg6[%dma_start3A_281, %dma_start3A_282] : memref<10000x64xf32, #tpu.memory_space<vmem_shared>> -> memref<10000x64xf32, #tpu.memory_space<vmem_shared>>
        tpu.enqueue_indirect_dma source(%arg10 : memref<80x64xf32, #tpu.memory_space<vmem>>) target(%dma_start3A_283 : memref<10000x64xf32, #tpu.memory_space<vmem_shared>>) offsets(%dma_start3A_280 : memref<80xi32, #tpu.memory_space<vmem>>) semaphore(%arg24 : memref<!tpu.dma_semaphore, #tpu.memory_space<semaphore_mem>>) {add = true}
        %dma_start3A_284 = arith.constant 1 : i32
        %dma_start3A_285 = arith.constant 0 : i32
        %dma_start3A_286 = tpu.memref_slice %arg14[%dma_start3A_284, %dma_start3A_285] : memref<2x80xi32, #tpu.memory_space<vmem>> -> memref<1x80xi32, #tpu.memory_space<vmem>>
        %dma_start3A_287 = tpu.memref_squeeze %dma_start3A_286 : memref<1x80xi32, #tpu.memory_space<vmem>> -> memref<80xi32, #tpu.memory_space<vmem>>
        %dma_start3A_288 = arith.constant 0 : i32
        %dma_start3A_289 = arith.constant 0 : i32
        %dma_start3A_290 = tpu.memref_slice %arg7[%dma_start3A_288, %dma_start3A_289] : memref<10000x64xf32, #tpu.memory_space<vmem_shared>> -> memref<10000x64xf32, #tpu.memory_space<vmem_shared>>
        tpu.enqueue_indirect_dma source(%arg10 : memref<80x64xf32, #tpu.memory_space<vmem>>) target(%dma_start3A_290 : memref<10000x64xf32, #tpu.memory_space<vmem_shared>>) offsets(%dma_start3A_287 : memref<80xi32, #tpu.memory_space<vmem>>) semaphore(%arg24 : memref<!tpu.dma_semaphore, #tpu.memory_space<semaphore_mem>>) {add = true}
      } else {
      }
      %mul3A_222 = arith.constant 4 : i32
      %mul3A_223 = arith.muli %scan3A_154, %mul3A_222 : i32
      %add3A_224 = arith.constant 3 : i32
      %add3A_225 = arith.addi %mul3A_223, %add3A_224 : i32
      %ge3A_226 = arith.constant 2 : i32
      %ge3A_227 = arith.cmpi sge, %add3A_225, %ge3A_226 : i32
      %le3A_228 = arith.constant 251 : i32
      %le3A_229 = arith.cmpi sle, %add3A_225, %le3A_228 : i32
      %and3A_230 = arith.andi %ge3A_227, %le3A_229 : i1
      %convert_element_type3A_231 = arith.extui %and3A_230 : i1 to i32
      %cond3A_232 = arith.constant 0 : i32
      %cond3A_233 = arith.cmpi ne, %convert_element_type3A_231, %cond3A_232 : i32
      scf.if %cond3A_233 {
        %dma_wait3A = arith.constant 0 : i32
        %dma_wait3A_247 = arith.constant 0 : i32
        %dma_wait3A_248 = tpu.memref_slice %arg13[%dma_wait3A, %dma_wait3A_247] : memref<2x80xi32, #tpu.memory_space<vmem>> -> memref<1x80xi32, #tpu.memory_space<vmem>>
        %dma_wait3A_249 = tpu.memref_squeeze %dma_wait3A_248 : memref<1x80xi32, #tpu.memory_space<vmem>> -> memref<80xi32, #tpu.memory_space<vmem>>
        %dma_wait3A_250 = arith.constant 0 : i32
        %dma_wait3A_251 = arith.constant 0 : i32
        %dma_wait3A_252 = tpu.memref_slice %arg6[%dma_wait3A_250, %dma_wait3A_251] : memref<10000x64xf32, #tpu.memory_space<vmem_shared>> -> memref<10000x64xf32, #tpu.memory_space<vmem_shared>>
        tpu.wait_indirect_dma semaphore(%arg23 : memref<!tpu.dma_semaphore, #tpu.memory_space<semaphore_mem>>) src(%arg9 : memref<80x64xf32, #tpu.memory_space<vmem>>) dst(%dma_wait3A_252 : memref<10000x64xf32, #tpu.memory_space<vmem_shared>>)
        %dma_wait3A_253 = arith.constant 1 : i32
        %dma_wait3A_254 = arith.constant 0 : i32
        %dma_wait3A_255 = tpu.memref_slice %arg13[%dma_wait3A_253, %dma_wait3A_254] : memref<2x80xi32, #tpu.memory_space<vmem>> -> memref<1x80xi32, #tpu.memory_space<vmem>>
        %dma_wait3A_256 = tpu.memref_squeeze %dma_wait3A_255 : memref<1x80xi32, #tpu.memory_space<vmem>> -> memref<80xi32, #tpu.memory_space<vmem>>
        %dma_wait3A_257 = arith.constant 0 : i32
        %dma_wait3A_258 = arith.constant 0 : i32
        %dma_wait3A_259 = tpu.memref_slice %arg7[%dma_wait3A_257, %dma_wait3A_258] : memref<10000x64xf32, #tpu.memory_space<vmem_shared>> -> memref<10000x64xf32, #tpu.memory_space<vmem_shared>>
        tpu.wait_indirect_dma semaphore(%arg23 : memref<!tpu.dma_semaphore, #tpu.memory_space<semaphore_mem>>) src(%arg9 : memref<80x64xf32, #tpu.memory_space<vmem>>) dst(%dma_wait3A_259 : memref<10000x64xf32, #tpu.memory_space<vmem_shared>>)
      } else {
      }
      %add3A_234 = arith.constant 2 : i32
      %add3A_235 = arith.addi %add3A_225, %add3A_234 : i32
      %lt3A_236 = arith.constant 250 : i32
      %lt3A_237 = arith.cmpi slt, %add3A_235, %lt3A_236 : i32
      %convert_element_type3A_238 = arith.extui %lt3A_237 : i1 to i32
      %cond3A_239 = arith.constant 0 : i32
      %cond3A_240 = arith.cmpi ne, %convert_element_type3A_238, %cond3A_239 : i32
      scf.if %cond3A_240 {
        %add3A_247 = arith.constant 2 : i32
        %add3A_248 = arith.addi %add3A_225, %add3A_247 : i32
        %add3A_249 = arith.addi %mul3A_2, %add3A_248 : i32
        %mul3A_250 = arith.constant 80 : i32
        %mul3A_251 = arith.muli %add3A_249, %mul3A_250 : i32
        %dma_start3A_252 = arith.constant 0 : i32
        %dma_start3A_253 = arith.constant 0 : i32
        %dma_start3A_254 = tpu.memref_slice %arg13[%dma_start3A_252, %dma_start3A_253] : memref<2x80xi32, #tpu.memory_space<vmem>> -> memref<1x80xi32, #tpu.memory_space<vmem>>
        %dma_start3A_255 = tpu.memref_squeeze %dma_start3A_254 : memref<1x80xi32, #tpu.memory_space<vmem>> -> memref<80xi32, #tpu.memory_space<vmem>>
        %dma_start3A_256 = arith.constant 0 : i32
        %dma_start3A_257 = tpu.memref_slice %arg3[%add3A_249, %dma_start3A_256] : memref<4000x80xi32, #tpu.memory_space<hbm>> -> memref<1x80xi32, #tpu.memory_space<hbm>>
        %dma_start3A_258 = tpu.memref_squeeze %dma_start3A_257 : memref<1x80xi32, #tpu.memory_space<hbm>> -> memref<80xi32, #tpu.memory_space<hbm>>
        %dma_start3A_259 = arith.constant 0 : i32
        %dma_start3A_260 = tpu.memref_slice %arg13[%dma_start3A_252, %dma_start3A_259] : memref<2x80xi32, #tpu.memory_space<vmem>> -> memref<1x80xi32, #tpu.memory_space<vmem>>
        %dma_start3A_261 = tpu.memref_squeeze %dma_start3A_260 : memref<1x80xi32, #tpu.memory_space<vmem>> -> memref<80xi32, #tpu.memory_space<vmem>>
        %dma_start3A_262 = arith.constant 0 : i32
        %dma_start3A_263 = tpu.memref_slice %arg3[%add3A_249, %dma_start3A_262] : memref<4000x80xi32, #tpu.memory_space<hbm>> -> memref<1x80xi32, #tpu.memory_space<hbm>>
        %dma_start3A_264 = tpu.memref_squeeze %dma_start3A_263 : memref<1x80xi32, #tpu.memory_space<hbm>> -> memref<80xi32, #tpu.memory_space<hbm>>
        tpu.enqueue_dma source(%dma_start3A_264 : memref<80xi32, #tpu.memory_space<hbm>>) target(%dma_start3A_261 : memref<80xi32, #tpu.memory_space<vmem>>) target_semaphore(%arg19 : memref<!tpu.dma_semaphore, #tpu.memory_space<semaphore_mem>>)
        %dma_start3A_265 = arith.constant 1 : i32
        %dma_start3A_266 = arith.constant 0 : i32
        %dma_start3A_267 = tpu.memref_slice %arg13[%dma_start3A_265, %dma_start3A_266] : memref<2x80xi32, #tpu.memory_space<vmem>> -> memref<1x80xi32, #tpu.memory_space<vmem>>
        %dma_start3A_268 = tpu.memref_squeeze %dma_start3A_267 : memref<1x80xi32, #tpu.memory_space<vmem>> -> memref<80xi32, #tpu.memory_space<vmem>>
        %dma_start3A_269 = arith.constant 0 : i32
        %dma_start3A_270 = tpu.memref_slice %arg4[%add3A_249, %dma_start3A_269] : memref<4000x80xi32, #tpu.memory_space<hbm>> -> memref<1x80xi32, #tpu.memory_space<hbm>>
        %dma_start3A_271 = tpu.memref_squeeze %dma_start3A_270 : memref<1x80xi32, #tpu.memory_space<hbm>> -> memref<80xi32, #tpu.memory_space<hbm>>
        %dma_start3A_272 = arith.constant 0 : i32
        %dma_start3A_273 = tpu.memref_slice %arg13[%dma_start3A_265, %dma_start3A_272] : memref<2x80xi32, #tpu.memory_space<vmem>> -> memref<1x80xi32, #tpu.memory_space<vmem>>
        %dma_start3A_274 = tpu.memref_squeeze %dma_start3A_273 : memref<1x80xi32, #tpu.memory_space<vmem>> -> memref<80xi32, #tpu.memory_space<vmem>>
        %dma_start3A_275 = arith.constant 0 : i32
        %dma_start3A_276 = tpu.memref_slice %arg4[%add3A_249, %dma_start3A_275] : memref<4000x80xi32, #tpu.memory_space<hbm>> -> memref<1x80xi32, #tpu.memory_space<hbm>>
        %dma_start3A_277 = tpu.memref_squeeze %dma_start3A_276 : memref<1x80xi32, #tpu.memory_space<hbm>> -> memref<80xi32, #tpu.memory_space<hbm>>
        tpu.enqueue_dma source(%dma_start3A_277 : memref<80xi32, #tpu.memory_space<hbm>>) target(%dma_start3A_274 : memref<80xi32, #tpu.memory_space<vmem>>) target_semaphore(%arg19 : memref<!tpu.dma_semaphore, #tpu.memory_space<semaphore_mem>>)
        %dma_start3A_278 = tpu.memref_slice %arg2[%mul3A_251, %mul3A_0] : memref<320000x128xf32, #tpu.memory_space<hbm>> -> memref<80x64xf32, #tpu.memory_space<hbm>>
        %dma_start3A_279 = tpu.memref_slice %arg2[%mul3A_251, %mul3A_0] : memref<320000x128xf32, #tpu.memory_space<hbm>> -> memref<80x64xf32, #tpu.memory_space<hbm>>
        tpu.enqueue_dma source(%dma_start3A_279 : memref<80x64xf32, #tpu.memory_space<hbm>>) target(%arg9 : memref<80x64xf32, #tpu.memory_space<vmem>>) target_semaphore(%arg19 : memref<!tpu.dma_semaphore, #tpu.memory_space<semaphore_mem>>)
      } else {
      }
      %lt3A_241 = arith.constant 250 : i32
      %lt3A_242 = arith.cmpi slt, %add3A_225, %lt3A_241 : i32
      %convert_element_type3A_243 = arith.extui %lt3A_242 : i1 to i32
      %cond3A_244 = arith.constant 0 : i32
      %cond3A_245 = arith.cmpi ne, %convert_element_type3A_243, %cond3A_244 : i32
      scf.if %cond3A_245 {
        %add3A_247 = arith.addi %mul3A_2, %add3A_225 : i32
        %mul3A_248 = arith.constant 80 : i32
        %mul3A_249 = arith.muli %add3A_247, %mul3A_248 : i32
        %dma_wait3A = arith.constant 0 : i32
        %dma_wait3A_250 = arith.constant 0 : i32
        %dma_wait3A_251 = tpu.memref_slice %arg15[%dma_wait3A, %dma_wait3A_250] : memref<2x80xi32, #tpu.memory_space<vmem>> -> memref<1x80xi32, #tpu.memory_space<vmem>>
        %dma_wait3A_252 = tpu.memref_squeeze %dma_wait3A_251 : memref<1x80xi32, #tpu.memory_space<vmem>> -> memref<80xi32, #tpu.memory_space<vmem>>
        %dma_wait3A_253 = arith.constant 0 : i32
        %dma_wait3A_254 = tpu.memref_slice %arg3[%add3A_247, %dma_wait3A_253] : memref<4000x80xi32, #tpu.memory_space<hbm>> -> memref<1x80xi32, #tpu.memory_space<hbm>>
        %dma_wait3A_255 = tpu.memref_squeeze %dma_wait3A_254 : memref<1x80xi32, #tpu.memory_space<hbm>> -> memref<80xi32, #tpu.memory_space<hbm>>
        %dma_wait3A_256 = arith.constant 0 : i32
        %dma_wait3A_257 = tpu.memref_slice %arg15[%dma_wait3A, %dma_wait3A_256] : memref<2x80xi32, #tpu.memory_space<vmem>> -> memref<1x80xi32, #tpu.memory_space<vmem>>
        %dma_wait3A_258 = tpu.memref_squeeze %dma_wait3A_257 : memref<1x80xi32, #tpu.memory_space<vmem>> -> memref<80xi32, #tpu.memory_space<vmem>>
        %dma_wait3A_259 = arith.constant 0 : i32
        %dma_wait3A_260 = tpu.memref_slice %arg3[%add3A_247, %dma_wait3A_259] : memref<4000x80xi32, #tpu.memory_space<hbm>> -> memref<1x80xi32, #tpu.memory_space<hbm>>
        %dma_wait3A_261 = tpu.memref_squeeze %dma_wait3A_260 : memref<1x80xi32, #tpu.memory_space<hbm>> -> memref<80xi32, #tpu.memory_space<hbm>>
        tpu.wait_dma2 semaphore(%arg21 : memref<!tpu.dma_semaphore, #tpu.memory_space<semaphore_mem>>) src(%dma_wait3A_261 : memref<80xi32, #tpu.memory_space<hbm>>) dst(%dma_wait3A_258 : memref<80xi32, #tpu.memory_space<vmem>>)
        %dma_wait3A_262 = arith.constant 1 : i32
        %dma_wait3A_263 = arith.constant 0 : i32
        %dma_wait3A_264 = tpu.memref_slice %arg15[%dma_wait3A_262, %dma_wait3A_263] : memref<2x80xi32, #tpu.memory_space<vmem>> -> memref<1x80xi32, #tpu.memory_space<vmem>>
        %dma_wait3A_265 = tpu.memref_squeeze %dma_wait3A_264 : memref<1x80xi32, #tpu.memory_space<vmem>> -> memref<80xi32, #tpu.memory_space<vmem>>
        %dma_wait3A_266 = arith.constant 0 : i32
        %dma_wait3A_267 = tpu.memref_slice %arg4[%add3A_247, %dma_wait3A_266] : memref<4000x80xi32, #tpu.memory_space<hbm>> -> memref<1x80xi32, #tpu.memory_space<hbm>>
        %dma_wait3A_268 = tpu.memref_squeeze %dma_wait3A_267 : memref<1x80xi32, #tpu.memory_space<hbm>> -> memref<80xi32, #tpu.memory_space<hbm>>
        %dma_wait3A_269 = arith.constant 0 : i32
        %dma_wait3A_270 = tpu.memref_slice %arg15[%dma_wait3A_262, %dma_wait3A_269] : memref<2x80xi32, #tpu.memory_space<vmem>> -> memref<1x80xi32, #tpu.memory_space<vmem>>
        %dma_wait3A_271 = tpu.memref_squeeze %dma_wait3A_270 : memref<1x80xi32, #tpu.memory_space<vmem>> -> memref<80xi32, #tpu.memory_space<vmem>>
        %dma_wait3A_272 = arith.constant 0 : i32
        %dma_wait3A_273 = tpu.memref_slice %arg4[%add3A_247, %dma_wait3A_272] : memref<4000x80xi32, #tpu.memory_space<hbm>> -> memref<1x80xi32, #tpu.memory_space<hbm>>
        %dma_wait3A_274 = tpu.memref_squeeze %dma_wait3A_273 : memref<1x80xi32, #tpu.memory_space<hbm>> -> memref<80xi32, #tpu.memory_space<hbm>>
        tpu.wait_dma2 semaphore(%arg21 : memref<!tpu.dma_semaphore, #tpu.memory_space<semaphore_mem>>) src(%dma_wait3A_274 : memref<80xi32, #tpu.memory_space<hbm>>) dst(%dma_wait3A_271 : memref<80xi32, #tpu.memory_space<vmem>>)
        %dma_wait3A_275 = tpu.memref_slice %arg2[%mul3A_249, %mul3A_0] : memref<320000x128xf32, #tpu.memory_space<hbm>> -> memref<80x64xf32, #tpu.memory_space<hbm>>
        %dma_wait3A_276 = tpu.memref_slice %arg2[%mul3A_249, %mul3A_0] : memref<320000x128xf32, #tpu.memory_space<hbm>> -> memref<80x64xf32, #tpu.memory_space<hbm>>
        tpu.wait_dma2 semaphore(%arg21 : memref<!tpu.dma_semaphore, #tpu.memory_space<semaphore_mem>>) src(%dma_wait3A_276 : memref<80x64xf32, #tpu.memory_space<hbm>>) dst(%arg11 : memref<80x64xf32, #tpu.memory_space<vmem>>)
        %dma_start3A_277 = arith.constant 0 : i32
        %dma_start3A_278 = arith.constant 0 : i32
        %dma_start3A_279 = tpu.memref_slice %arg15[%dma_start3A_277, %dma_start3A_278] : memref<2x80xi32, #tpu.memory_space<vmem>> -> memref<1x80xi32, #tpu.memory_space<vmem>>
        %dma_start3A_280 = tpu.memref_squeeze %dma_start3A_279 : memref<1x80xi32, #tpu.memory_space<vmem>> -> memref<80xi32, #tpu.memory_space<vmem>>
        %dma_start3A_281 = arith.constant 0 : i32
        %dma_start3A_282 = arith.constant 0 : i32
        %dma_start3A_283 = tpu.memref_slice %arg6[%dma_start3A_281, %dma_start3A_282] : memref<10000x64xf32, #tpu.memory_space<vmem_shared>> -> memref<10000x64xf32, #tpu.memory_space<vmem_shared>>
        tpu.enqueue_indirect_dma source(%arg11 : memref<80x64xf32, #tpu.memory_space<vmem>>) target(%dma_start3A_283 : memref<10000x64xf32, #tpu.memory_space<vmem_shared>>) offsets(%dma_start3A_280 : memref<80xi32, #tpu.memory_space<vmem>>) semaphore(%arg25 : memref<!tpu.dma_semaphore, #tpu.memory_space<semaphore_mem>>) {add = true}
        %dma_start3A_284 = arith.constant 1 : i32
        %dma_start3A_285 = arith.constant 0 : i32
        %dma_start3A_286 = tpu.memref_slice %arg15[%dma_start3A_284, %dma_start3A_285] : memref<2x80xi32, #tpu.memory_space<vmem>> -> memref<1x80xi32, #tpu.memory_space<vmem>>
        %dma_start3A_287 = tpu.memref_squeeze %dma_start3A_286 : memref<1x80xi32, #tpu.memory_space<vmem>> -> memref<80xi32, #tpu.memory_space<vmem>>
        %dma_start3A_288 = arith.constant 0 : i32
        %dma_start3A_289 = arith.constant 0 : i32
        %dma_start3A_290 = tpu.memref_slice %arg7[%dma_start3A_288, %dma_start3A_289] : memref<10000x64xf32, #tpu.memory_space<vmem_shared>> -> memref<10000x64xf32, #tpu.memory_space<vmem_shared>>
        tpu.enqueue_indirect_dma source(%arg11 : memref<80x64xf32, #tpu.memory_space<vmem>>) target(%dma_start3A_290 : memref<10000x64xf32, #tpu.memory_space<vmem_shared>>) offsets(%dma_start3A_287 : memref<80xi32, #tpu.memory_space<vmem>>) semaphore(%arg25 : memref<!tpu.dma_semaphore, #tpu.memory_space<semaphore_mem>>) {add = true}
      } else {
      }
      %scan3A_246 = arith.constant 0 : i32
      scf.yield %scan3A_246 : i32
    }
    %scan3A_97 = arith.constant 64 : i32
    %barrier3A_98 = arith.constant 0 : index
    tpu.barrier barrier_id(%barrier3A_98)
    %mul3A_99 = arith.constant 625 : i32
    %mul3A_100 = arith.muli %arg1, %mul3A_99 : i32
    %add3A_101 = arith.constant 0 : i32
    %add3A_102 = arith.addi %mul3A_100, %add3A_101 : i32
    "tpu.region"() ({
      %run_scoped3A = tpu.sem_alloc : memref<!tpu.dma_semaphore, #tpu.memory_space<semaphore_mem>>
      %dma_start3A_154 = arith.constant 0 : i32
      %dma_start3A_155 = tpu.memref_slice %arg6[%add3A_102, %dma_start3A_154] : memref<10000x64xf32, #tpu.memory_space<vmem_shared>> -> memref<125x64xf32, #tpu.memory_space<vmem_shared>>
      %dma_start3A_156 = arith.constant 0 : i32
      %dma_start3A_157 = tpu.memref_slice %arg6[%add3A_102, %dma_start3A_156] : memref<10000x64xf32, #tpu.memory_space<vmem_shared>> -> memref<125x64xf32, #tpu.memory_space<vmem_shared>>
      tpu.enqueue_dma source(%dma_start3A_157 : memref<125x64xf32, #tpu.memory_space<vmem_shared>>) target(%arg16 : memref<125x64xf32, #tpu.memory_space<vmem>>) target_semaphore(%run_scoped3A : memref<!tpu.dma_semaphore, #tpu.memory_space<semaphore_mem>>)
      %dma_wait3A = arith.constant 0 : i32
      %dma_wait3A_158 = tpu.memref_slice %arg6[%add3A_102, %dma_wait3A] : memref<10000x64xf32, #tpu.memory_space<vmem_shared>> -> memref<125x64xf32, #tpu.memory_space<vmem_shared>>
      %dma_wait3A_159 = arith.constant 0 : i32
      %dma_wait3A_160 = tpu.memref_slice %arg6[%add3A_102, %dma_wait3A_159] : memref<10000x64xf32, #tpu.memory_space<vmem_shared>> -> memref<125x64xf32, #tpu.memory_space<vmem_shared>>
      tpu.wait_dma2 semaphore(%run_scoped3A : memref<!tpu.dma_semaphore, #tpu.memory_space<semaphore_mem>>) src(%dma_wait3A_160 : memref<125x64xf32, #tpu.memory_space<vmem_shared>>) dst(%arg16 : memref<125x64xf32, #tpu.memory_space<vmem>>)
      tpu.yield
    }) : () -> ()
    "tpu.region"() ({
      %run_scoped3A = tpu.sem_alloc : memref<!tpu.dma_semaphore, #tpu.memory_space<semaphore_mem>>
      %dma_start3A_154 = arith.constant 0 : i32
      %dma_start3A_155 = tpu.memref_slice %arg7[%add3A_102, %dma_start3A_154] : memref<10000x64xf32, #tpu.memory_space<vmem_shared>> -> memref<125x64xf32, #tpu.memory_space<vmem_shared>>
      %dma_start3A_156 = arith.constant 0 : i32
      %dma_start3A_157 = tpu.memref_slice %arg7[%add3A_102, %dma_start3A_156] : memref<10000x64xf32, #tpu.memory_space<vmem_shared>> -> memref<125x64xf32, #tpu.memory_space<vmem_shared>>
      tpu.enqueue_dma source(%dma_start3A_157 : memref<125x64xf32, #tpu.memory_space<vmem_shared>>) target(%arg17 : memref<125x64xf32, #tpu.memory_space<vmem>>) target_semaphore(%run_scoped3A : memref<!tpu.dma_semaphore, #tpu.memory_space<semaphore_mem>>)
      %dma_wait3A = arith.constant 0 : i32
      %dma_wait3A_158 = tpu.memref_slice %arg7[%add3A_102, %dma_wait3A] : memref<10000x64xf32, #tpu.memory_space<vmem_shared>> -> memref<125x64xf32, #tpu.memory_space<vmem_shared>>
      %dma_wait3A_159 = arith.constant 0 : i32
      %dma_wait3A_160 = tpu.memref_slice %arg7[%add3A_102, %dma_wait3A_159] : memref<10000x64xf32, #tpu.memory_space<vmem_shared>> -> memref<125x64xf32, #tpu.memory_space<vmem_shared>>
      tpu.wait_dma2 semaphore(%run_scoped3A : memref<!tpu.dma_semaphore, #tpu.memory_space<semaphore_mem>>) src(%dma_wait3A_160 : memref<125x64xf32, #tpu.memory_space<vmem_shared>>) dst(%arg17 : memref<125x64xf32, #tpu.memory_space<vmem>>)
      tpu.yield
    }) : () -> ()
    %scan3A_103 = arith.constant 0 : i32
    %scan3A_104 = arith.constant 0 : i32
    %scan3A_105 = arith.constant 125 : i32
    %scan3A_106 = arith.addi %scan3A_104, %scan3A_105 : i32
    %scan3A_107 = arith.constant 1 : i32
    %scan3A_108 = scf.for %scan3A_154 = %scan3A_104 to %scan3A_106 step %scan3A_107 iter_args(%scan3A_155 = %scan3A_103) -> (i32)  : i32 {
      %get3A = arith.index_cast %scan3A_154 : i32 to index
      %get3A_156 = arith.constant 0 : index
      %get3A_157 = tpu.vector_load %arg16[%get3A, %get3A_156] {strides = array<i32>} : memref<125x64xf32, #tpu.memory_space<vmem>>, vector<1x16xf32>,
      %get3A_158 = vector.shape_cast %get3A_157 : vector<1x16xf32> to vector<16xf32>
      %get3A_159 = arith.index_cast %scan3A_154 : i32 to index
      %get3A_160 = arith.constant 0 : index
      %get3A_161 = tpu.vector_load %arg17[%get3A_159, %get3A_160] {strides = array<i32>} : memref<125x64xf32, #tpu.memory_space<vmem>>, vector<1x16xf32>,
      %get3A_162 = vector.shape_cast %get3A_161 : vector<1x16xf32> to vector<16xf32>
      %sub3A = arith.subf %get3A_158, %get3A_162 : vector<16xf32>
      %swap3A = arith.index_cast %scan3A_154 : i32 to index
      %swap3A_163 = arith.constant 0 : index
      %swap3A_164 = tpu.vector_load %arg16[%swap3A, %swap3A_163] {strides = array<i32>} : memref<125x64xf32, #tpu.memory_space<vmem>>, vector<1x16xf32>,
      %swap3A_165 = vector.shape_cast %swap3A_164 : vector<1x16xf32> to vector<16xf32>
      %swap3A_166 = vector.shape_cast %sub3A : vector<16xf32> to vector<1x16xf32>
      tpu.vector_store %arg16[%swap3A, %swap3A_163], %swap3A_166 {strides = array<i32>} : memref<125x64xf32, #tpu.memory_space<vmem>>, vector<1x16xf32>,
      %get3A_167 = arith.index_cast %scan3A_154 : i32 to index
      %get3A_168 = arith.constant 16 : index
      %get3A_169 = tpu.vector_load %arg16[%get3A_167, %get3A_168] {strides = array<i32>} : memref<125x64xf32, #tpu.memory_space<vmem>>, vector<1x16xf32>,
      %get3A_170 = vector.shape_cast %get3A_169 : vector<1x16xf32> to vector<16xf32>
      %get3A_171 = arith.index_cast %scan3A_154 : i32 to index
      %get3A_172 = arith.constant 16 : index
      %get3A_173 = tpu.vector_load %arg17[%get3A_171, %get3A_172] {strides = array<i32>} : memref<125x64xf32, #tpu.memory_space<vmem>>, vector<1x16xf32>,
      %get3A_174 = vector.shape_cast %get3A_173 : vector<1x16xf32> to vector<16xf32>
      %sub3A_175 = arith.subf %get3A_170, %get3A_174 : vector<16xf32>
      %swap3A_176 = arith.index_cast %scan3A_154 : i32 to index
      %swap3A_177 = arith.constant 16 : index
      %swap3A_178 = tpu.vector_load %arg16[%swap3A_176, %swap3A_177] {strides = array<i32>} : memref<125x64xf32, #tpu.memory_space<vmem>>, vector<1x16xf32>,
      %swap3A_179 = vector.shape_cast %swap3A_178 : vector<1x16xf32> to vector<16xf32>
      %swap3A_180 = vector.shape_cast %sub3A_175 : vector<16xf32> to vector<1x16xf32>
      tpu.vector_store %arg16[%swap3A_176, %swap3A_177], %swap3A_180 {strides = array<i32>} : memref<125x64xf32, #tpu.memory_space<vmem>>, vector<1x16xf32>,
      %get3A_181 = arith.index_cast %scan3A_154 : i32 to index
      %get3A_182 = arith.constant 32 : index
      %get3A_183 = tpu.vector_load %arg16[%get3A_181, %get3A_182] {strides = array<i32>} : memref<125x64xf32, #tpu.memory_space<vmem>>, vector<1x16xf32>,
      %get3A_184 = vector.shape_cast %get3A_183 : vector<1x16xf32> to vector<16xf32>
      %get3A_185 = arith.index_cast %scan3A_154 : i32 to index
      %get3A_186 = arith.constant 32 : index
      %get3A_187 = tpu.vector_load %arg17[%get3A_185, %get3A_186] {strides = array<i32>} : memref<125x64xf32, #tpu.memory_space<vmem>>, vector<1x16xf32>,
      %get3A_188 = vector.shape_cast %get3A_187 : vector<1x16xf32> to vector<16xf32>
      %sub3A_189 = arith.subf %get3A_184, %get3A_188 : vector<16xf32>
      %swap3A_190 = arith.index_cast %scan3A_154 : i32 to index
      %swap3A_191 = arith.constant 32 : index
      %swap3A_192 = tpu.vector_load %arg16[%swap3A_190, %swap3A_191] {strides = array<i32>} : memref<125x64xf32, #tpu.memory_space<vmem>>, vector<1x16xf32>,
      %swap3A_193 = vector.shape_cast %swap3A_192 : vector<1x16xf32> to vector<16xf32>
      %swap3A_194 = vector.shape_cast %sub3A_189 : vector<16xf32> to vector<1x16xf32>
      tpu.vector_store %arg16[%swap3A_190, %swap3A_191], %swap3A_194 {strides = array<i32>} : memref<125x64xf32, #tpu.memory_space<vmem>>, vector<1x16xf32>,
      %get3A_195 = arith.index_cast %scan3A_154 : i32 to index
      %get3A_196 = arith.constant 48 : index
      %get3A_197 = tpu.vector_load %arg16[%get3A_195, %get3A_196] {strides = array<i32>} : memref<125x64xf32, #tpu.memory_space<vmem>>, vector<1x16xf32>,
      %get3A_198 = vector.shape_cast %get3A_197 : vector<1x16xf32> to vector<16xf32>
      %get3A_199 = arith.index_cast %scan3A_154 : i32 to index
      %get3A_200 = arith.constant 48 : index
      %get3A_201 = tpu.vector_load %arg17[%get3A_199, %get3A_200] {strides = array<i32>} : memref<125x64xf32, #tpu.memory_space<vmem>>, vector<1x16xf32>,
      %get3A_202 = vector.shape_cast %get3A_201 : vector<1x16xf32> to vector<16xf32>
      %sub3A_203 = arith.subf %get3A_198, %get3A_202 : vector<16xf32>
      %swap3A_204 = arith.index_cast %scan3A_154 : i32 to index
      %swap3A_205 = arith.constant 48 : index
      %swap3A_206 = tpu.vector_load %arg16[%swap3A_204, %swap3A_205] {strides = array<i32>} : memref<125x64xf32, #tpu.memory_space<vmem>>, vector<1x16xf32>,
      %swap3A_207 = vector.shape_cast %swap3A_206 : vector<1x16xf32> to vector<16xf32>
      %swap3A_208 = vector.shape_cast %sub3A_203 : vector<16xf32> to vector<1x16xf32>
      tpu.vector_store %arg16[%swap3A_204, %swap3A_205], %swap3A_208 {strides = array<i32>} : memref<125x64xf32, #tpu.memory_space<vmem>>, vector<1x16xf32>,
      %scan3A_209 = arith.constant 0 : i32
      scf.yield %scan3A_209 : i32
    }
    %scan3A_109 = arith.constant 125 : i32
    "tpu.region"() ({
      %run_scoped3A = tpu.sem_alloc : memref<!tpu.dma_semaphore, #tpu.memory_space<semaphore_mem>>
      %dma_start3A_154 = tpu.memref_slice %arg5[%add3A_102, %mul3A_0] : memref<10000x128xf32, #tpu.memory_space<hbm>> -> memref<125x64xf32, #tpu.memory_space<hbm>>
      %dma_start3A_155 = tpu.memref_slice %arg5[%add3A_102, %mul3A_0] : memref<10000x128xf32, #tpu.memory_space<hbm>> -> memref<125x64xf32, #tpu.memory_space<hbm>>
      tpu.enqueue_dma source(%arg16 : memref<125x64xf32, #tpu.memory_space<vmem>>) target(%dma_start3A_155 : memref<125x64xf32, #tpu.memory_space<hbm>>) target_semaphore(%run_scoped3A : memref<!tpu.dma_semaphore, #tpu.memory_space<semaphore_mem>>)
      %dma_wait3A = tpu.memref_slice %arg5[%add3A_102, %mul3A_0] : memref<10000x128xf32, #tpu.memory_space<hbm>> -> memref<125x64xf32, #tpu.memory_space<hbm>>
      %dma_wait3A_156 = tpu.memref_slice %arg5[%add3A_102, %mul3A_0] : memref<10000x128xf32, #tpu.memory_space<hbm>> -> memref<125x64xf32, #tpu.memory_space<hbm>>
      tpu.wait_dma2 semaphore(%run_scoped3A : memref<!tpu.dma_semaphore, #tpu.memory_space<semaphore_mem>>) src(%arg16 : memref<125x64xf32, #tpu.memory_space<vmem>>) dst(%dma_wait3A_156 : memref<125x64xf32, #tpu.memory_space<hbm>>)
      tpu.yield
    }) : () -> ()
    %mul3A_110 = arith.constant 625 : i32
    %mul3A_111 = arith.muli %arg1, %mul3A_110 : i32
    %add3A_112 = arith.constant 125 : i32
    %add3A_113 = arith.addi %mul3A_111, %add3A_112 : i32
    "tpu.region"() ({
      %run_scoped3A = tpu.sem_alloc : memref<!tpu.dma_semaphore, #tpu.memory_space<semaphore_mem>>
      %dma_start3A_154 = arith.constant 0 : i32
      %dma_start3A_155 = tpu.memref_slice %arg6[%add3A_113, %dma_start3A_154] : memref<10000x64xf32, #tpu.memory_space<vmem_shared>> -> memref<125x64xf32, #tpu.memory_space<vmem_shared>>
      %dma_start3A_156 = arith.constant 0 : i32
      %dma_start3A_157 = tpu.memref_slice %arg6[%add3A_113, %dma_start3A_156] : memref<10000x64xf32, #tpu.memory_space<vmem_shared>> -> memref<125x64xf32, #tpu.memory_space<vmem_shared>>
      tpu.enqueue_dma source(%dma_start3A_157 : memref<125x64xf32, #tpu.memory_space<vmem_shared>>) target(%arg16 : memref<125x64xf32, #tpu.memory_space<vmem>>) target_semaphore(%run_scoped3A : memref<!tpu.dma_semaphore, #tpu.memory_space<semaphore_mem>>)
      %dma_wait3A = arith.constant 0 : i32
      %dma_wait3A_158 = tpu.memref_slice %arg6[%add3A_113, %dma_wait3A] : memref<10000x64xf32, #tpu.memory_space<vmem_shared>> -> memref<125x64xf32, #tpu.memory_space<vmem_shared>>
      %dma_wait3A_159 = arith.constant 0 : i32
      %dma_wait3A_160 = tpu.memref_slice %arg6[%add3A_113, %dma_wait3A_159] : memref<10000x64xf32, #tpu.memory_space<vmem_shared>> -> memref<125x64xf32, #tpu.memory_space<vmem_shared>>
      tpu.wait_dma2 semaphore(%run_scoped3A : memref<!tpu.dma_semaphore, #tpu.memory_space<semaphore_mem>>) src(%dma_wait3A_160 : memref<125x64xf32, #tpu.memory_space<vmem_shared>>) dst(%arg16 : memref<125x64xf32, #tpu.memory_space<vmem>>)
      tpu.yield
    }) : () -> ()
    "tpu.region"() ({
      %run_scoped3A = tpu.sem_alloc : memref<!tpu.dma_semaphore, #tpu.memory_space<semaphore_mem>>
      %dma_start3A_154 = arith.constant 0 : i32
      %dma_start3A_155 = tpu.memref_slice %arg7[%add3A_113, %dma_start3A_154] : memref<10000x64xf32, #tpu.memory_space<vmem_shared>> -> memref<125x64xf32, #tpu.memory_space<vmem_shared>>
      %dma_start3A_156 = arith.constant 0 : i32
      %dma_start3A_157 = tpu.memref_slice %arg7[%add3A_113, %dma_start3A_156] : memref<10000x64xf32, #tpu.memory_space<vmem_shared>> -> memref<125x64xf32, #tpu.memory_space<vmem_shared>>
      tpu.enqueue_dma source(%dma_start3A_157 : memref<125x64xf32, #tpu.memory_space<vmem_shared>>) target(%arg17 : memref<125x64xf32, #tpu.memory_space<vmem>>) target_semaphore(%run_scoped3A : memref<!tpu.dma_semaphore, #tpu.memory_space<semaphore_mem>>)
      %dma_wait3A = arith.constant 0 : i32
      %dma_wait3A_158 = tpu.memref_slice %arg7[%add3A_113, %dma_wait3A] : memref<10000x64xf32, #tpu.memory_space<vmem_shared>> -> memref<125x64xf32, #tpu.memory_space<vmem_shared>>
      %dma_wait3A_159 = arith.constant 0 : i32
      %dma_wait3A_160 = tpu.memref_slice %arg7[%add3A_113, %dma_wait3A_159] : memref<10000x64xf32, #tpu.memory_space<vmem_shared>> -> memref<125x64xf32, #tpu.memory_space<vmem_shared>>
      tpu.wait_dma2 semaphore(%run_scoped3A : memref<!tpu.dma_semaphore, #tpu.memory_space<semaphore_mem>>) src(%dma_wait3A_160 : memref<125x64xf32, #tpu.memory_space<vmem_shared>>) dst(%arg17 : memref<125x64xf32, #tpu.memory_space<vmem>>)
      tpu.yield
    }) : () -> ()
    %scan3A_114 = arith.constant 0 : i32
    %scan3A_115 = arith.constant 0 : i32
    %scan3A_116 = arith.constant 125 : i32
    %scan3A_117 = arith.addi %scan3A_115, %scan3A_116 : i32
    %scan3A_118 = arith.constant 1 : i32
    %scan3A_119 = scf.for %scan3A_154 = %scan3A_115 to %scan3A_117 step %scan3A_118 iter_args(%scan3A_155 = %scan3A_114) -> (i32)  : i32 {
      %get3A = arith.index_cast %scan3A_154 : i32 to index
      %get3A_156 = arith.constant 0 : index
      %get3A_157 = tpu.vector_load %arg16[%get3A, %get3A_156] {strides = array<i32>} : memref<125x64xf32, #tpu.memory_space<vmem>>, vector<1x16xf32>,
      %get3A_158 = vector.shape_cast %get3A_157 : vector<1x16xf32> to vector<16xf32>
      %get3A_159 = arith.index_cast %scan3A_154 : i32 to index
      %get3A_160 = arith.constant 0 : index
      %get3A_161 = tpu.vector_load %arg17[%get3A_159, %get3A_160] {strides = array<i32>} : memref<125x64xf32, #tpu.memory_space<vmem>>, vector<1x16xf32>,
      %get3A_162 = vector.shape_cast %get3A_161 : vector<1x16xf32> to vector<16xf32>
      %sub3A = arith.subf %get3A_158, %get3A_162 : vector<16xf32>
      %swap3A = arith.index_cast %scan3A_154 : i32 to index
      %swap3A_163 = arith.constant 0 : index
      %swap3A_164 = tpu.vector_load %arg16[%swap3A, %swap3A_163] {strides = array<i32>} : memref<125x64xf32, #tpu.memory_space<vmem>>, vector<1x16xf32>,
      %swap3A_165 = vector.shape_cast %swap3A_164 : vector<1x16xf32> to vector<16xf32>
      %swap3A_166 = vector.shape_cast %sub3A : vector<16xf32> to vector<1x16xf32>
      tpu.vector_store %arg16[%swap3A, %swap3A_163], %swap3A_166 {strides = array<i32>} : memref<125x64xf32, #tpu.memory_space<vmem>>, vector<1x16xf32>,
      %get3A_167 = arith.index_cast %scan3A_154 : i32 to index
      %get3A_168 = arith.constant 16 : index
      %get3A_169 = tpu.vector_load %arg16[%get3A_167, %get3A_168] {strides = array<i32>} : memref<125x64xf32, #tpu.memory_space<vmem>>, vector<1x16xf32>,
      %get3A_170 = vector.shape_cast %get3A_169 : vector<1x16xf32> to vector<16xf32>
      %get3A_171 = arith.index_cast %scan3A_154 : i32 to index
      %get3A_172 = arith.constant 16 : index
      %get3A_173 = tpu.vector_load %arg17[%get3A_171, %get3A_172] {strides = array<i32>} : memref<125x64xf32, #tpu.memory_space<vmem>>, vector<1x16xf32>,
      %get3A_174 = vector.shape_cast %get3A_173 : vector<1x16xf32> to vector<16xf32>
      %sub3A_175 = arith.subf %get3A_170, %get3A_174 : vector<16xf32>
      %swap3A_176 = arith.index_cast %scan3A_154 : i32 to index
      %swap3A_177 = arith.constant 16 : index
      %swap3A_178 = tpu.vector_load %arg16[%swap3A_176, %swap3A_177] {strides = array<i32>} : memref<125x64xf32, #tpu.memory_space<vmem>>, vector<1x16xf32>,
      %swap3A_179 = vector.shape_cast %swap3A_178 : vector<1x16xf32> to vector<16xf32>
      %swap3A_180 = vector.shape_cast %sub3A_175 : vector<16xf32> to vector<1x16xf32>
      tpu.vector_store %arg16[%swap3A_176, %swap3A_177], %swap3A_180 {strides = array<i32>} : memref<125x64xf32, #tpu.memory_space<vmem>>, vector<1x16xf32>,
      %get3A_181 = arith.index_cast %scan3A_154 : i32 to index
      %get3A_182 = arith.constant 32 : index
      %get3A_183 = tpu.vector_load %arg16[%get3A_181, %get3A_182] {strides = array<i32>} : memref<125x64xf32, #tpu.memory_space<vmem>>, vector<1x16xf32>,
      %get3A_184 = vector.shape_cast %get3A_183 : vector<1x16xf32> to vector<16xf32>
      %get3A_185 = arith.index_cast %scan3A_154 : i32 to index
      %get3A_186 = arith.constant 32 : index
      %get3A_187 = tpu.vector_load %arg17[%get3A_185, %get3A_186] {strides = array<i32>} : memref<125x64xf32, #tpu.memory_space<vmem>>, vector<1x16xf32>,
      %get3A_188 = vector.shape_cast %get3A_187 : vector<1x16xf32> to vector<16xf32>
      %sub3A_189 = arith.subf %get3A_184, %get3A_188 : vector<16xf32>
      %swap3A_190 = arith.index_cast %scan3A_154 : i32 to index
      %swap3A_191 = arith.constant 32 : index
      %swap3A_192 = tpu.vector_load %arg16[%swap3A_190, %swap3A_191] {strides = array<i32>} : memref<125x64xf32, #tpu.memory_space<vmem>>, vector<1x16xf32>,
      %swap3A_193 = vector.shape_cast %swap3A_192 : vector<1x16xf32> to vector<16xf32>
      %swap3A_194 = vector.shape_cast %sub3A_189 : vector<16xf32> to vector<1x16xf32>
      tpu.vector_store %arg16[%swap3A_190, %swap3A_191], %swap3A_194 {strides = array<i32>} : memref<125x64xf32, #tpu.memory_space<vmem>>, vector<1x16xf32>,
      %get3A_195 = arith.index_cast %scan3A_154 : i32 to index
      %get3A_196 = arith.constant 48 : index
      %get3A_197 = tpu.vector_load %arg16[%get3A_195, %get3A_196] {strides = array<i32>} : memref<125x64xf32, #tpu.memory_space<vmem>>, vector<1x16xf32>,
      %get3A_198 = vector.shape_cast %get3A_197 : vector<1x16xf32> to vector<16xf32>
      %get3A_199 = arith.index_cast %scan3A_154 : i32 to index
      %get3A_200 = arith.constant 48 : index
      %get3A_201 = tpu.vector_load %arg17[%get3A_199, %get3A_200] {strides = array<i32>} : memref<125x64xf32, #tpu.memory_space<vmem>>, vector<1x16xf32>,
      %get3A_202 = vector.shape_cast %get3A_201 : vector<1x16xf32> to vector<16xf32>
      %sub3A_203 = arith.subf %get3A_198, %get3A_202 : vector<16xf32>
      %swap3A_204 = arith.index_cast %scan3A_154 : i32 to index
      %swap3A_205 = arith.constant 48 : index
      %swap3A_206 = tpu.vector_load %arg16[%swap3A_204, %swap3A_205] {strides = array<i32>} : memref<125x64xf32, #tpu.memory_space<vmem>>, vector<1x16xf32>,
      %swap3A_207 = vector.shape_cast %swap3A_206 : vector<1x16xf32> to vector<16xf32>
      %swap3A_208 = vector.shape_cast %sub3A_203 : vector<16xf32> to vector<1x16xf32>
      tpu.vector_store %arg16[%swap3A_204, %swap3A_205], %swap3A_208 {strides = array<i32>} : memref<125x64xf32, #tpu.memory_space<vmem>>, vector<1x16xf32>,
      %scan3A_209 = arith.constant 0 : i32
      scf.yield %scan3A_209 : i32
    }
    %scan3A_120 = arith.constant 125 : i32
    "tpu.region"() ({
      %run_scoped3A = tpu.sem_alloc : memref<!tpu.dma_semaphore, #tpu.memory_space<semaphore_mem>>
      %dma_start3A_154 = tpu.memref_slice %arg5[%add3A_113, %mul3A_0] : memref<10000x128xf32, #tpu.memory_space<hbm>> -> memref<125x64xf32, #tpu.memory_space<hbm>>
      %dma_start3A_155 = tpu.memref_slice %arg5[%add3A_113, %mul3A_0] : memref<10000x128xf32, #tpu.memory_space<hbm>> -> memref<125x64xf32, #tpu.memory_space<hbm>>
      tpu.enqueue_dma source(%arg16 : memref<125x64xf32, #tpu.memory_space<vmem>>) target(%dma_start3A_155 : memref<125x64xf32, #tpu.memory_space<hbm>>) target_semaphore(%run_scoped3A : memref<!tpu.dma_semaphore, #tpu.memory_space<semaphore_mem>>)
      %dma_wait3A = tpu.memref_slice %arg5[%add3A_113, %mul3A_0] : memref<10000x128xf32, #tpu.memory_space<hbm>> -> memref<125x64xf32, #tpu.memory_space<hbm>>
      %dma_wait3A_156 = tpu.memref_slice %arg5[%add3A_113, %mul3A_0] : memref<10000x128xf32, #tpu.memory_space<hbm>> -> memref<125x64xf32, #tpu.memory_space<hbm>>
      tpu.wait_dma2 semaphore(%run_scoped3A : memref<!tpu.dma_semaphore, #tpu.memory_space<semaphore_mem>>) src(%arg16 : memref<125x64xf32, #tpu.memory_space<vmem>>) dst(%dma_wait3A_156 : memref<125x64xf32, #tpu.memory_space<hbm>>)
      tpu.yield
    }) : () -> ()
    %mul3A_121 = arith.constant 625 : i32
    %mul3A_122 = arith.muli %arg1, %mul3A_121 : i32
    %add3A_123 = arith.constant 250 : i32
    %add3A_124 = arith.addi %mul3A_122, %add3A_123 : i32
    "tpu.region"() ({
      %run_scoped3A = tpu.sem_alloc : memref<!tpu.dma_semaphore, #tpu.memory_space<semaphore_mem>>
      %dma_start3A_154 = arith.constant 0 : i32
      %dma_start3A_155 = tpu.memref_slice %arg6[%add3A_124, %dma_start3A_154] : memref<10000x64xf32, #tpu.memory_space<vmem_shared>> -> memref<125x64xf32, #tpu.memory_space<vmem_shared>>
      %dma_start3A_156 = arith.constant 0 : i32
      %dma_start3A_157 = tpu.memref_slice %arg6[%add3A_124, %dma_start3A_156] : memref<10000x64xf32, #tpu.memory_space<vmem_shared>> -> memref<125x64xf32, #tpu.memory_space<vmem_shared>>
      tpu.enqueue_dma source(%dma_start3A_157 : memref<125x64xf32, #tpu.memory_space<vmem_shared>>) target(%arg16 : memref<125x64xf32, #tpu.memory_space<vmem>>) target_semaphore(%run_scoped3A : memref<!tpu.dma_semaphore, #tpu.memory_space<semaphore_mem>>)
      %dma_wait3A = arith.constant 0 : i32
      %dma_wait3A_158 = tpu.memref_slice %arg6[%add3A_124, %dma_wait3A] : memref<10000x64xf32, #tpu.memory_space<vmem_shared>> -> memref<125x64xf32, #tpu.memory_space<vmem_shared>>
      %dma_wait3A_159 = arith.constant 0 : i32
      %dma_wait3A_160 = tpu.memref_slice %arg6[%add3A_124, %dma_wait3A_159] : memref<10000x64xf32, #tpu.memory_space<vmem_shared>> -> memref<125x64xf32, #tpu.memory_space<vmem_shared>>
      tpu.wait_dma2 semaphore(%run_scoped3A : memref<!tpu.dma_semaphore, #tpu.memory_space<semaphore_mem>>) src(%dma_wait3A_160 : memref<125x64xf32, #tpu.memory_space<vmem_shared>>) dst(%arg16 : memref<125x64xf32, #tpu.memory_space<vmem>>)
      tpu.yield
    }) : () -> ()
    "tpu.region"() ({
      %run_scoped3A = tpu.sem_alloc : memref<!tpu.dma_semaphore, #tpu.memory_space<semaphore_mem>>
      %dma_start3A_154 = arith.constant 0 : i32
      %dma_start3A_155 = tpu.memref_slice %arg7[%add3A_124, %dma_start3A_154] : memref<10000x64xf32, #tpu.memory_space<vmem_shared>> -> memref<125x64xf32, #tpu.memory_space<vmem_shared>>
      %dma_start3A_156 = arith.constant 0 : i32
      %dma_start3A_157 = tpu.memref_slice %arg7[%add3A_124, %dma_start3A_156] : memref<10000x64xf32, #tpu.memory_space<vmem_shared>> -> memref<125x64xf32, #tpu.memory_space<vmem_shared>>
      tpu.enqueue_dma source(%dma_start3A_157 : memref<125x64xf32, #tpu.memory_space<vmem_shared>>) target(%arg17 : memref<125x64xf32, #tpu.memory_space<vmem>>) target_semaphore(%run_scoped3A : memref<!tpu.dma_semaphore, #tpu.memory_space<semaphore_mem>>)
      %dma_wait3A = arith.constant 0 : i32
      %dma_wait3A_158 = tpu.memref_slice %arg7[%add3A_124, %dma_wait3A] : memref<10000x64xf32, #tpu.memory_space<vmem_shared>> -> memref<125x64xf32, #tpu.memory_space<vmem_shared>>
      %dma_wait3A_159 = arith.constant 0 : i32
      %dma_wait3A_160 = tpu.memref_slice %arg7[%add3A_124, %dma_wait3A_159] : memref<10000x64xf32, #tpu.memory_space<vmem_shared>> -> memref<125x64xf32, #tpu.memory_space<vmem_shared>>
      tpu.wait_dma2 semaphore(%run_scoped3A : memref<!tpu.dma_semaphore, #tpu.memory_space<semaphore_mem>>) src(%dma_wait3A_160 : memref<125x64xf32, #tpu.memory_space<vmem_shared>>) dst(%arg17 : memref<125x64xf32, #tpu.memory_space<vmem>>)
      tpu.yield
    }) : () -> ()
    %scan3A_125 = arith.constant 0 : i32
    %scan3A_126 = arith.constant 0 : i32
    %scan3A_127 = arith.constant 125 : i32
    %scan3A_128 = arith.addi %scan3A_126, %scan3A_127 : i32
    %scan3A_129 = arith.constant 1 : i32
    %scan3A_130 = scf.for %scan3A_154 = %scan3A_126 to %scan3A_128 step %scan3A_129 iter_args(%scan3A_155 = %scan3A_125) -> (i32)  : i32 {
      %get3A = arith.index_cast %scan3A_154 : i32 to index
      %get3A_156 = arith.constant 0 : index
      %get3A_157 = tpu.vector_load %arg16[%get3A, %get3A_156] {strides = array<i32>} : memref<125x64xf32, #tpu.memory_space<vmem>>, vector<1x16xf32>,
      %get3A_158 = vector.shape_cast %get3A_157 : vector<1x16xf32> to vector<16xf32>
      %get3A_159 = arith.index_cast %scan3A_154 : i32 to index
      %get3A_160 = arith.constant 0 : index
      %get3A_161 = tpu.vector_load %arg17[%get3A_159, %get3A_160] {strides = array<i32>} : memref<125x64xf32, #tpu.memory_space<vmem>>, vector<1x16xf32>,
      %get3A_162 = vector.shape_cast %get3A_161 : vector<1x16xf32> to vector<16xf32>
      %sub3A = arith.subf %get3A_158, %get3A_162 : vector<16xf32>
      %swap3A = arith.index_cast %scan3A_154 : i32 to index
      %swap3A_163 = arith.constant 0 : index
      %swap3A_164 = tpu.vector_load %arg16[%swap3A, %swap3A_163] {strides = array<i32>} : memref<125x64xf32, #tpu.memory_space<vmem>>, vector<1x16xf32>,
      %swap3A_165 = vector.shape_cast %swap3A_164 : vector<1x16xf32> to vector<16xf32>
      %swap3A_166 = vector.shape_cast %sub3A : vector<16xf32> to vector<1x16xf32>
      tpu.vector_store %arg16[%swap3A, %swap3A_163], %swap3A_166 {strides = array<i32>} : memref<125x64xf32, #tpu.memory_space<vmem>>, vector<1x16xf32>,
      %get3A_167 = arith.index_cast %scan3A_154 : i32 to index
      %get3A_168 = arith.constant 16 : index
      %get3A_169 = tpu.vector_load %arg16[%get3A_167, %get3A_168] {strides = array<i32>} : memref<125x64xf32, #tpu.memory_space<vmem>>, vector<1x16xf32>,
      %get3A_170 = vector.shape_cast %get3A_169 : vector<1x16xf32> to vector<16xf32>
      %get3A_171 = arith.index_cast %scan3A_154 : i32 to index
      %get3A_172 = arith.constant 16 : index
      %get3A_173 = tpu.vector_load %arg17[%get3A_171, %get3A_172] {strides = array<i32>} : memref<125x64xf32, #tpu.memory_space<vmem>>, vector<1x16xf32>,
      %get3A_174 = vector.shape_cast %get3A_173 : vector<1x16xf32> to vector<16xf32>
      %sub3A_175 = arith.subf %get3A_170, %get3A_174 : vector<16xf32>
      %swap3A_176 = arith.index_cast %scan3A_154 : i32 to index
      %swap3A_177 = arith.constant 16 : index
      %swap3A_178 = tpu.vector_load %arg16[%swap3A_176, %swap3A_177] {strides = array<i32>} : memref<125x64xf32, #tpu.memory_space<vmem>>, vector<1x16xf32>,
      %swap3A_179 = vector.shape_cast %swap3A_178 : vector<1x16xf32> to vector<16xf32>
      %swap3A_180 = vector.shape_cast %sub3A_175 : vector<16xf32> to vector<1x16xf32>
      tpu.vector_store %arg16[%swap3A_176, %swap3A_177], %swap3A_180 {strides = array<i32>} : memref<125x64xf32, #tpu.memory_space<vmem>>, vector<1x16xf32>,
      %get3A_181 = arith.index_cast %scan3A_154 : i32 to index
      %get3A_182 = arith.constant 32 : index
      %get3A_183 = tpu.vector_load %arg16[%get3A_181, %get3A_182] {strides = array<i32>} : memref<125x64xf32, #tpu.memory_space<vmem>>, vector<1x16xf32>,
      %get3A_184 = vector.shape_cast %get3A_183 : vector<1x16xf32> to vector<16xf32>
      %get3A_185 = arith.index_cast %scan3A_154 : i32 to index
      %get3A_186 = arith.constant 32 : index
      %get3A_187 = tpu.vector_load %arg17[%get3A_185, %get3A_186] {strides = array<i32>} : memref<125x64xf32, #tpu.memory_space<vmem>>, vector<1x16xf32>,
      %get3A_188 = vector.shape_cast %get3A_187 : vector<1x16xf32> to vector<16xf32>
      %sub3A_189 = arith.subf %get3A_184, %get3A_188 : vector<16xf32>
      %swap3A_190 = arith.index_cast %scan3A_154 : i32 to index
      %swap3A_191 = arith.constant 32 : index
      %swap3A_192 = tpu.vector_load %arg16[%swap3A_190, %swap3A_191] {strides = array<i32>} : memref<125x64xf32, #tpu.memory_space<vmem>>, vector<1x16xf32>,
      %swap3A_193 = vector.shape_cast %swap3A_192 : vector<1x16xf32> to vector<16xf32>
      %swap3A_194 = vector.shape_cast %sub3A_189 : vector<16xf32> to vector<1x16xf32>
      tpu.vector_store %arg16[%swap3A_190, %swap3A_191], %swap3A_194 {strides = array<i32>} : memref<125x64xf32, #tpu.memory_space<vmem>>, vector<1x16xf32>,
      %get3A_195 = arith.index_cast %scan3A_154 : i32 to index
      %get3A_196 = arith.constant 48 : index
      %get3A_197 = tpu.vector_load %arg16[%get3A_195, %get3A_196] {strides = array<i32>} : memref<125x64xf32, #tpu.memory_space<vmem>>, vector<1x16xf32>,
      %get3A_198 = vector.shape_cast %get3A_197 : vector<1x16xf32> to vector<16xf32>
      %get3A_199 = arith.index_cast %scan3A_154 : i32 to index
      %get3A_200 = arith.constant 48 : index
      %get3A_201 = tpu.vector_load %arg17[%get3A_199, %get3A_200] {strides = array<i32>} : memref<125x64xf32, #tpu.memory_space<vmem>>, vector<1x16xf32>,
      %get3A_202 = vector.shape_cast %get3A_201 : vector<1x16xf32> to vector<16xf32>
      %sub3A_203 = arith.subf %get3A_198, %get3A_202 : vector<16xf32>
      %swap3A_204 = arith.index_cast %scan3A_154 : i32 to index
      %swap3A_205 = arith.constant 48 : index
      %swap3A_206 = tpu.vector_load %arg16[%swap3A_204, %swap3A_205] {strides = array<i32>} : memref<125x64xf32, #tpu.memory_space<vmem>>, vector<1x16xf32>,
      %swap3A_207 = vector.shape_cast %swap3A_206 : vector<1x16xf32> to vector<16xf32>
      %swap3A_208 = vector.shape_cast %sub3A_203 : vector<16xf32> to vector<1x16xf32>
      tpu.vector_store %arg16[%swap3A_204, %swap3A_205], %swap3A_208 {strides = array<i32>} : memref<125x64xf32, #tpu.memory_space<vmem>>, vector<1x16xf32>,
      %scan3A_209 = arith.constant 0 : i32
      scf.yield %scan3A_209 : i32
    }
    %scan3A_131 = arith.constant 125 : i32
    "tpu.region"() ({
      %run_scoped3A = tpu.sem_alloc : memref<!tpu.dma_semaphore, #tpu.memory_space<semaphore_mem>>
      %dma_start3A_154 = tpu.memref_slice %arg5[%add3A_124, %mul3A_0] : memref<10000x128xf32, #tpu.memory_space<hbm>> -> memref<125x64xf32, #tpu.memory_space<hbm>>
      %dma_start3A_155 = tpu.memref_slice %arg5[%add3A_124, %mul3A_0] : memref<10000x128xf32, #tpu.memory_space<hbm>> -> memref<125x64xf32, #tpu.memory_space<hbm>>
      tpu.enqueue_dma source(%arg16 : memref<125x64xf32, #tpu.memory_space<vmem>>) target(%dma_start3A_155 : memref<125x64xf32, #tpu.memory_space<hbm>>) target_semaphore(%run_scoped3A : memref<!tpu.dma_semaphore, #tpu.memory_space<semaphore_mem>>)
      %dma_wait3A = tpu.memref_slice %arg5[%add3A_124, %mul3A_0] : memref<10000x128xf32, #tpu.memory_space<hbm>> -> memref<125x64xf32, #tpu.memory_space<hbm>>
      %dma_wait3A_156 = tpu.memref_slice %arg5[%add3A_124, %mul3A_0] : memref<10000x128xf32, #tpu.memory_space<hbm>> -> memref<125x64xf32, #tpu.memory_space<hbm>>
      tpu.wait_dma2 semaphore(%run_scoped3A : memref<!tpu.dma_semaphore, #tpu.memory_space<semaphore_mem>>) src(%arg16 : memref<125x64xf32, #tpu.memory_space<vmem>>) dst(%dma_wait3A_156 : memref<125x64xf32, #tpu.memory_space<hbm>>)
      tpu.yield
    }) : () -> ()
    %mul3A_132 = arith.constant 625 : i32
    %mul3A_133 = arith.muli %arg1, %mul3A_132 : i32
    %add3A_134 = arith.constant 375 : i32
    %add3A_135 = arith.addi %mul3A_133, %add3A_134 : i32
    "tpu.region"() ({
      %run_scoped3A = tpu.sem_alloc : memref<!tpu.dma_semaphore, #tpu.memory_space<semaphore_mem>>
      %dma_start3A_154 = arith.constant 0 : i32
      %dma_start3A_155 = tpu.memref_slice %arg6[%add3A_135, %dma_start3A_154] : memref<10000x64xf32, #tpu.memory_space<vmem_shared>> -> memref<125x64xf32, #tpu.memory_space<vmem_shared>>
      %dma_start3A_156 = arith.constant 0 : i32
      %dma_start3A_157 = tpu.memref_slice %arg6[%add3A_135, %dma_start3A_156] : memref<10000x64xf32, #tpu.memory_space<vmem_shared>> -> memref<125x64xf32, #tpu.memory_space<vmem_shared>>
      tpu.enqueue_dma source(%dma_start3A_157 : memref<125x64xf32, #tpu.memory_space<vmem_shared>>) target(%arg16 : memref<125x64xf32, #tpu.memory_space<vmem>>) target_semaphore(%run_scoped3A : memref<!tpu.dma_semaphore, #tpu.memory_space<semaphore_mem>>)
      %dma_wait3A = arith.constant 0 : i32
      %dma_wait3A_158 = tpu.memref_slice %arg6[%add3A_135, %dma_wait3A] : memref<10000x64xf32, #tpu.memory_space<vmem_shared>> -> memref<125x64xf32, #tpu.memory_space<vmem_shared>>
      %dma_wait3A_159 = arith.constant 0 : i32
      %dma_wait3A_160 = tpu.memref_slice %arg6[%add3A_135, %dma_wait3A_159] : memref<10000x64xf32, #tpu.memory_space<vmem_shared>> -> memref<125x64xf32, #tpu.memory_space<vmem_shared>>
      tpu.wait_dma2 semaphore(%run_scoped3A : memref<!tpu.dma_semaphore, #tpu.memory_space<semaphore_mem>>) src(%dma_wait3A_160 : memref<125x64xf32, #tpu.memory_space<vmem_shared>>) dst(%arg16 : memref<125x64xf32, #tpu.memory_space<vmem>>)
      tpu.yield
    }) : () -> ()
    "tpu.region"() ({
      %run_scoped3A = tpu.sem_alloc : memref<!tpu.dma_semaphore, #tpu.memory_space<semaphore_mem>>
      %dma_start3A_154 = arith.constant 0 : i32
      %dma_start3A_155 = tpu.memref_slice %arg7[%add3A_135, %dma_start3A_154] : memref<10000x64xf32, #tpu.memory_space<vmem_shared>> -> memref<125x64xf32, #tpu.memory_space<vmem_shared>>
      %dma_start3A_156 = arith.constant 0 : i32
      %dma_start3A_157 = tpu.memref_slice %arg7[%add3A_135, %dma_start3A_156] : memref<10000x64xf32, #tpu.memory_space<vmem_shared>> -> memref<125x64xf32, #tpu.memory_space<vmem_shared>>
      tpu.enqueue_dma source(%dma_start3A_157 : memref<125x64xf32, #tpu.memory_space<vmem_shared>>) target(%arg17 : memref<125x64xf32, #tpu.memory_space<vmem>>) target_semaphore(%run_scoped3A : memref<!tpu.dma_semaphore, #tpu.memory_space<semaphore_mem>>)
      %dma_wait3A = arith.constant 0 : i32
      %dma_wait3A_158 = tpu.memref_slice %arg7[%add3A_135, %dma_wait3A] : memref<10000x64xf32, #tpu.memory_space<vmem_shared>> -> memref<125x64xf32, #tpu.memory_space<vmem_shared>>
      %dma_wait3A_159 = arith.constant 0 : i32
      %dma_wait3A_160 = tpu.memref_slice %arg7[%add3A_135, %dma_wait3A_159] : memref<10000x64xf32, #tpu.memory_space<vmem_shared>> -> memref<125x64xf32, #tpu.memory_space<vmem_shared>>
      tpu.wait_dma2 semaphore(%run_scoped3A : memref<!tpu.dma_semaphore, #tpu.memory_space<semaphore_mem>>) src(%dma_wait3A_160 : memref<125x64xf32, #tpu.memory_space<vmem_shared>>) dst(%arg17 : memref<125x64xf32, #tpu.memory_space<vmem>>)
      tpu.yield
    }) : () -> ()
    %scan3A_136 = arith.constant 0 : i32
    %scan3A_137 = arith.constant 0 : i32
    %scan3A_138 = arith.constant 125 : i32
    %scan3A_139 = arith.addi %scan3A_137, %scan3A_138 : i32
    %scan3A_140 = arith.constant 1 : i32
    %scan3A_141 = scf.for %scan3A_154 = %scan3A_137 to %scan3A_139 step %scan3A_140 iter_args(%scan3A_155 = %scan3A_136) -> (i32)  : i32 {
      %get3A = arith.index_cast %scan3A_154 : i32 to index
      %get3A_156 = arith.constant 0 : index
      %get3A_157 = tpu.vector_load %arg16[%get3A, %get3A_156] {strides = array<i32>} : memref<125x64xf32, #tpu.memory_space<vmem>>, vector<1x16xf32>,
      %get3A_158 = vector.shape_cast %get3A_157 : vector<1x16xf32> to vector<16xf32>
      %get3A_159 = arith.index_cast %scan3A_154 : i32 to index
      %get3A_160 = arith.constant 0 : index
      %get3A_161 = tpu.vector_load %arg17[%get3A_159, %get3A_160] {strides = array<i32>} : memref<125x64xf32, #tpu.memory_space<vmem>>, vector<1x16xf32>,
      %get3A_162 = vector.shape_cast %get3A_161 : vector<1x16xf32> to vector<16xf32>
      %sub3A = arith.subf %get3A_158, %get3A_162 : vector<16xf32>
      %swap3A = arith.index_cast %scan3A_154 : i32 to index
      %swap3A_163 = arith.constant 0 : index
      %swap3A_164 = tpu.vector_load %arg16[%swap3A, %swap3A_163] {strides = array<i32>} : memref<125x64xf32, #tpu.memory_space<vmem>>, vector<1x16xf32>,
      %swap3A_165 = vector.shape_cast %swap3A_164 : vector<1x16xf32> to vector<16xf32>
      %swap3A_166 = vector.shape_cast %sub3A : vector<16xf32> to vector<1x16xf32>
      tpu.vector_store %arg16[%swap3A, %swap3A_163], %swap3A_166 {strides = array<i32>} : memref<125x64xf32, #tpu.memory_space<vmem>>, vector<1x16xf32>,
      %get3A_167 = arith.index_cast %scan3A_154 : i32 to index
      %get3A_168 = arith.constant 16 : index
      %get3A_169 = tpu.vector_load %arg16[%get3A_167, %get3A_168] {strides = array<i32>} : memref<125x64xf32, #tpu.memory_space<vmem>>, vector<1x16xf32>,
      %get3A_170 = vector.shape_cast %get3A_169 : vector<1x16xf32> to vector<16xf32>
      %get3A_171 = arith.index_cast %scan3A_154 : i32 to index
      %get3A_172 = arith.constant 16 : index
      %get3A_173 = tpu.vector_load %arg17[%get3A_171, %get3A_172] {strides = array<i32>} : memref<125x64xf32, #tpu.memory_space<vmem>>, vector<1x16xf32>,
      %get3A_174 = vector.shape_cast %get3A_173 : vector<1x16xf32> to vector<16xf32>
      %sub3A_175 = arith.subf %get3A_170, %get3A_174 : vector<16xf32>
      %swap3A_176 = arith.index_cast %scan3A_154 : i32 to index
      %swap3A_177 = arith.constant 16 : index
      %swap3A_178 = tpu.vector_load %arg16[%swap3A_176, %swap3A_177] {strides = array<i32>} : memref<125x64xf32, #tpu.memory_space<vmem>>, vector<1x16xf32>,
      %swap3A_179 = vector.shape_cast %swap3A_178 : vector<1x16xf32> to vector<16xf32>
      %swap3A_180 = vector.shape_cast %sub3A_175 : vector<16xf32> to vector<1x16xf32>
      tpu.vector_store %arg16[%swap3A_176, %swap3A_177], %swap3A_180 {strides = array<i32>} : memref<125x64xf32, #tpu.memory_space<vmem>>, vector<1x16xf32>,
      %get3A_181 = arith.index_cast %scan3A_154 : i32 to index
      %get3A_182 = arith.constant 32 : index
      %get3A_183 = tpu.vector_load %arg16[%get3A_181, %get3A_182] {strides = array<i32>} : memref<125x64xf32, #tpu.memory_space<vmem>>, vector<1x16xf32>,
      %get3A_184 = vector.shape_cast %get3A_183 : vector<1x16xf32> to vector<16xf32>
      %get3A_185 = arith.index_cast %scan3A_154 : i32 to index
      %get3A_186 = arith.constant 32 : index
      %get3A_187 = tpu.vector_load %arg17[%get3A_185, %get3A_186] {strides = array<i32>} : memref<125x64xf32, #tpu.memory_space<vmem>>, vector<1x16xf32>,
      %get3A_188 = vector.shape_cast %get3A_187 : vector<1x16xf32> to vector<16xf32>
      %sub3A_189 = arith.subf %get3A_184, %get3A_188 : vector<16xf32>
      %swap3A_190 = arith.index_cast %scan3A_154 : i32 to index
      %swap3A_191 = arith.constant 32 : index
      %swap3A_192 = tpu.vector_load %arg16[%swap3A_190, %swap3A_191] {strides = array<i32>} : memref<125x64xf32, #tpu.memory_space<vmem>>, vector<1x16xf32>,
      %swap3A_193 = vector.shape_cast %swap3A_192 : vector<1x16xf32> to vector<16xf32>
      %swap3A_194 = vector.shape_cast %sub3A_189 : vector<16xf32> to vector<1x16xf32>
      tpu.vector_store %arg16[%swap3A_190, %swap3A_191], %swap3A_194 {strides = array<i32>} : memref<125x64xf32, #tpu.memory_space<vmem>>, vector<1x16xf32>,
      %get3A_195 = arith.index_cast %scan3A_154 : i32 to index
      %get3A_196 = arith.constant 48 : index
      %get3A_197 = tpu.vector_load %arg16[%get3A_195, %get3A_196] {strides = array<i32>} : memref<125x64xf32, #tpu.memory_space<vmem>>, vector<1x16xf32>,
      %get3A_198 = vector.shape_cast %get3A_197 : vector<1x16xf32> to vector<16xf32>
      %get3A_199 = arith.index_cast %scan3A_154 : i32 to index
      %get3A_200 = arith.constant 48 : index
      %get3A_201 = tpu.vector_load %arg17[%get3A_199, %get3A_200] {strides = array<i32>} : memref<125x64xf32, #tpu.memory_space<vmem>>, vector<1x16xf32>,
      %get3A_202 = vector.shape_cast %get3A_201 : vector<1x16xf32> to vector<16xf32>
      %sub3A_203 = arith.subf %get3A_198, %get3A_202 : vector<16xf32>
      %swap3A_204 = arith.index_cast %scan3A_154 : i32 to index
      %swap3A_205 = arith.constant 48 : index
      %swap3A_206 = tpu.vector_load %arg16[%swap3A_204, %swap3A_205] {strides = array<i32>} : memref<125x64xf32, #tpu.memory_space<vmem>>, vector<1x16xf32>,
      %swap3A_207 = vector.shape_cast %swap3A_206 : vector<1x16xf32> to vector<16xf32>
      %swap3A_208 = vector.shape_cast %sub3A_203 : vector<16xf32> to vector<1x16xf32>
      tpu.vector_store %arg16[%swap3A_204, %swap3A_205], %swap3A_208 {strides = array<i32>} : memref<125x64xf32, #tpu.memory_space<vmem>>, vector<1x16xf32>,
      %scan3A_209 = arith.constant 0 : i32
      scf.yield %scan3A_209 : i32
    }
    %scan3A_142 = arith.constant 125 : i32
    "tpu.region"() ({
      %run_scoped3A = tpu.sem_alloc : memref<!tpu.dma_semaphore, #tpu.memory_space<semaphore_mem>>
      %dma_start3A_154 = tpu.memref_slice %arg5[%add3A_135, %mul3A_0] : memref<10000x128xf32, #tpu.memory_space<hbm>> -> memref<125x64xf32, #tpu.memory_space<hbm>>
      %dma_start3A_155 = tpu.memref_slice %arg5[%add3A_135, %mul3A_0] : memref<10000x128xf32, #tpu.memory_space<hbm>> -> memref<125x64xf32, #tpu.memory_space<hbm>>
      tpu.enqueue_dma source(%arg16 : memref<125x64xf32, #tpu.memory_space<vmem>>) target(%dma_start3A_155 : memref<125x64xf32, #tpu.memory_space<hbm>>) target_semaphore(%run_scoped3A : memref<!tpu.dma_semaphore, #tpu.memory_space<semaphore_mem>>)
      %dma_wait3A = tpu.memref_slice %arg5[%add3A_135, %mul3A_0] : memref<10000x128xf32, #tpu.memory_space<hbm>> -> memref<125x64xf32, #tpu.memory_space<hbm>>
      %dma_wait3A_156 = tpu.memref_slice %arg5[%add3A_135, %mul3A_0] : memref<10000x128xf32, #tpu.memory_space<hbm>> -> memref<125x64xf32, #tpu.memory_space<hbm>>
      tpu.wait_dma2 semaphore(%run_scoped3A : memref<!tpu.dma_semaphore, #tpu.memory_space<semaphore_mem>>) src(%arg16 : memref<125x64xf32, #tpu.memory_space<vmem>>) dst(%dma_wait3A_156 : memref<125x64xf32, #tpu.memory_space<hbm>>)
      tpu.yield
    }) : () -> ()
    %mul3A_143 = arith.constant 625 : i32
    %mul3A_144 = arith.muli %arg1, %mul3A_143 : i32
    %add3A_145 = arith.constant 500 : i32
    %add3A_146 = arith.addi %mul3A_144, %add3A_145 : i32
    "tpu.region"() ({
      %run_scoped3A = tpu.sem_alloc : memref<!tpu.dma_semaphore, #tpu.memory_space<semaphore_mem>>
      %dma_start3A_154 = arith.constant 0 : i32
      %dma_start3A_155 = tpu.memref_slice %arg6[%add3A_146, %dma_start3A_154] : memref<10000x64xf32, #tpu.memory_space<vmem_shared>> -> memref<125x64xf32, #tpu.memory_space<vmem_shared>>
      %dma_start3A_156 = arith.constant 0 : i32
      %dma_start3A_157 = tpu.memref_slice %arg6[%add3A_146, %dma_start3A_156] : memref<10000x64xf32, #tpu.memory_space<vmem_shared>> -> memref<125x64xf32, #tpu.memory_space<vmem_shared>>
      tpu.enqueue_dma source(%dma_start3A_157 : memref<125x64xf32, #tpu.memory_space<vmem_shared>>) target(%arg16 : memref<125x64xf32, #tpu.memory_space<vmem>>) target_semaphore(%run_scoped3A : memref<!tpu.dma_semaphore, #tpu.memory_space<semaphore_mem>>)
      %dma_wait3A = arith.constant 0 : i32
      %dma_wait3A_158 = tpu.memref_slice %arg6[%add3A_146, %dma_wait3A] : memref<10000x64xf32, #tpu.memory_space<vmem_shared>> -> memref<125x64xf32, #tpu.memory_space<vmem_shared>>
      %dma_wait3A_159 = arith.constant 0 : i32
      %dma_wait3A_160 = tpu.memref_slice %arg6[%add3A_146, %dma_wait3A_159] : memref<10000x64xf32, #tpu.memory_space<vmem_shared>> -> memref<125x64xf32, #tpu.memory_space<vmem_shared>>
      tpu.wait_dma2 semaphore(%run_scoped3A : memref<!tpu.dma_semaphore, #tpu.memory_space<semaphore_mem>>) src(%dma_wait3A_160 : memref<125x64xf32, #tpu.memory_space<vmem_shared>>) dst(%arg16 : memref<125x64xf32, #tpu.memory_space<vmem>>)
      tpu.yield
    }) : () -> ()
    "tpu.region"() ({
      %run_scoped3A = tpu.sem_alloc : memref<!tpu.dma_semaphore, #tpu.memory_space<semaphore_mem>>
      %dma_start3A_154 = arith.constant 0 : i32
      %dma_start3A_155 = tpu.memref_slice %arg7[%add3A_146, %dma_start3A_154] : memref<10000x64xf32, #tpu.memory_space<vmem_shared>> -> memref<125x64xf32, #tpu.memory_space<vmem_shared>>
      %dma_start3A_156 = arith.constant 0 : i32
      %dma_start3A_157 = tpu.memref_slice %arg7[%add3A_146, %dma_start3A_156] : memref<10000x64xf32, #tpu.memory_space<vmem_shared>> -> memref<125x64xf32, #tpu.memory_space<vmem_shared>>
      tpu.enqueue_dma source(%dma_start3A_157 : memref<125x64xf32, #tpu.memory_space<vmem_shared>>) target(%arg17 : memref<125x64xf32, #tpu.memory_space<vmem>>) target_semaphore(%run_scoped3A : memref<!tpu.dma_semaphore, #tpu.memory_space<semaphore_mem>>)
      %dma_wait3A = arith.constant 0 : i32
      %dma_wait3A_158 = tpu.memref_slice %arg7[%add3A_146, %dma_wait3A] : memref<10000x64xf32, #tpu.memory_space<vmem_shared>> -> memref<125x64xf32, #tpu.memory_space<vmem_shared>>
      %dma_wait3A_159 = arith.constant 0 : i32
      %dma_wait3A_160 = tpu.memref_slice %arg7[%add3A_146, %dma_wait3A_159] : memref<10000x64xf32, #tpu.memory_space<vmem_shared>> -> memref<125x64xf32, #tpu.memory_space<vmem_shared>>
      tpu.wait_dma2 semaphore(%run_scoped3A : memref<!tpu.dma_semaphore, #tpu.memory_space<semaphore_mem>>) src(%dma_wait3A_160 : memref<125x64xf32, #tpu.memory_space<vmem_shared>>) dst(%arg17 : memref<125x64xf32, #tpu.memory_space<vmem>>)
      tpu.yield
    }) : () -> ()
    %scan3A_147 = arith.constant 0 : i32
    %scan3A_148 = arith.constant 0 : i32
    %scan3A_149 = arith.constant 125 : i32
    %scan3A_150 = arith.addi %scan3A_148, %scan3A_149 : i32
    %scan3A_151 = arith.constant 1 : i32
    %scan3A_152 = scf.for %scan3A_154 = %scan3A_148 to %scan3A_150 step %scan3A_151 iter_args(%scan3A_155 = %scan3A_147) -> (i32)  : i32 {
      %get3A = arith.index_cast %scan3A_154 : i32 to index
      %get3A_156 = arith.constant 0 : index
      %get3A_157 = tpu.vector_load %arg16[%get3A, %get3A_156] {strides = array<i32>} : memref<125x64xf32, #tpu.memory_space<vmem>>, vector<1x16xf32>,
      %get3A_158 = vector.shape_cast %get3A_157 : vector<1x16xf32> to vector<16xf32>
      %get3A_159 = arith.index_cast %scan3A_154 : i32 to index
      %get3A_160 = arith.constant 0 : index
      %get3A_161 = tpu.vector_load %arg17[%get3A_159, %get3A_160] {strides = array<i32>} : memref<125x64xf32, #tpu.memory_space<vmem>>, vector<1x16xf32>,
      %get3A_162 = vector.shape_cast %get3A_161 : vector<1x16xf32> to vector<16xf32>
      %sub3A = arith.subf %get3A_158, %get3A_162 : vector<16xf32>
      %swap3A = arith.index_cast %scan3A_154 : i32 to index
      %swap3A_163 = arith.constant 0 : index
      %swap3A_164 = tpu.vector_load %arg16[%swap3A, %swap3A_163] {strides = array<i32>} : memref<125x64xf32, #tpu.memory_space<vmem>>, vector<1x16xf32>,
      %swap3A_165 = vector.shape_cast %swap3A_164 : vector<1x16xf32> to vector<16xf32>
      %swap3A_166 = vector.shape_cast %sub3A : vector<16xf32> to vector<1x16xf32>
      tpu.vector_store %arg16[%swap3A, %swap3A_163], %swap3A_166 {strides = array<i32>} : memref<125x64xf32, #tpu.memory_space<vmem>>, vector<1x16xf32>,
      %get3A_167 = arith.index_cast %scan3A_154 : i32 to index
      %get3A_168 = arith.constant 16 : index
      %get3A_169 = tpu.vector_load %arg16[%get3A_167, %get3A_168] {strides = array<i32>} : memref<125x64xf32, #tpu.memory_space<vmem>>, vector<1x16xf32>,
      %get3A_170 = vector.shape_cast %get3A_169 : vector<1x16xf32> to vector<16xf32>
      %get3A_171 = arith.index_cast %scan3A_154 : i32 to index
      %get3A_172 = arith.constant 16 : index
      %get3A_173 = tpu.vector_load %arg17[%get3A_171, %get3A_172] {strides = array<i32>} : memref<125x64xf32, #tpu.memory_space<vmem>>, vector<1x16xf32>,
      %get3A_174 = vector.shape_cast %get3A_173 : vector<1x16xf32> to vector<16xf32>
      %sub3A_175 = arith.subf %get3A_170, %get3A_174 : vector<16xf32>
      %swap3A_176 = arith.index_cast %scan3A_154 : i32 to index
      %swap3A_177 = arith.constant 16 : index
      %swap3A_178 = tpu.vector_load %arg16[%swap3A_176, %swap3A_177] {strides = array<i32>} : memref<125x64xf32, #tpu.memory_space<vmem>>, vector<1x16xf32>,
      %swap3A_179 = vector.shape_cast %swap3A_178 : vector<1x16xf32> to vector<16xf32>
      %swap3A_180 = vector.shape_cast %sub3A_175 : vector<16xf32> to vector<1x16xf32>
      tpu.vector_store %arg16[%swap3A_176, %swap3A_177], %swap3A_180 {strides = array<i32>} : memref<125x64xf32, #tpu.memory_space<vmem>>, vector<1x16xf32>,
      %get3A_181 = arith.index_cast %scan3A_154 : i32 to index
      %get3A_182 = arith.constant 32 : index
      %get3A_183 = tpu.vector_load %arg16[%get3A_181, %get3A_182] {strides = array<i32>} : memref<125x64xf32, #tpu.memory_space<vmem>>, vector<1x16xf32>,
      %get3A_184 = vector.shape_cast %get3A_183 : vector<1x16xf32> to vector<16xf32>
      %get3A_185 = arith.index_cast %scan3A_154 : i32 to index
      %get3A_186 = arith.constant 32 : index
      %get3A_187 = tpu.vector_load %arg17[%get3A_185, %get3A_186] {strides = array<i32>} : memref<125x64xf32, #tpu.memory_space<vmem>>, vector<1x16xf32>,
      %get3A_188 = vector.shape_cast %get3A_187 : vector<1x16xf32> to vector<16xf32>
      %sub3A_189 = arith.subf %get3A_184, %get3A_188 : vector<16xf32>
      %swap3A_190 = arith.index_cast %scan3A_154 : i32 to index
      %swap3A_191 = arith.constant 32 : index
      %swap3A_192 = tpu.vector_load %arg16[%swap3A_190, %swap3A_191] {strides = array<i32>} : memref<125x64xf32, #tpu.memory_space<vmem>>, vector<1x16xf32>,
      %swap3A_193 = vector.shape_cast %swap3A_192 : vector<1x16xf32> to vector<16xf32>
      %swap3A_194 = vector.shape_cast %sub3A_189 : vector<16xf32> to vector<1x16xf32>
      tpu.vector_store %arg16[%swap3A_190, %swap3A_191], %swap3A_194 {strides = array<i32>} : memref<125x64xf32, #tpu.memory_space<vmem>>, vector<1x16xf32>,
      %get3A_195 = arith.index_cast %scan3A_154 : i32 to index
      %get3A_196 = arith.constant 48 : index
      %get3A_197 = tpu.vector_load %arg16[%get3A_195, %get3A_196] {strides = array<i32>} : memref<125x64xf32, #tpu.memory_space<vmem>>, vector<1x16xf32>,
      %get3A_198 = vector.shape_cast %get3A_197 : vector<1x16xf32> to vector<16xf32>
      %get3A_199 = arith.index_cast %scan3A_154 : i32 to index
      %get3A_200 = arith.constant 48 : index
      %get3A_201 = tpu.vector_load %arg17[%get3A_199, %get3A_200] {strides = array<i32>} : memref<125x64xf32, #tpu.memory_space<vmem>>, vector<1x16xf32>,
      %get3A_202 = vector.shape_cast %get3A_201 : vector<1x16xf32> to vector<16xf32>
      %sub3A_203 = arith.subf %get3A_198, %get3A_202 : vector<16xf32>
      %swap3A_204 = arith.index_cast %scan3A_154 : i32 to index
      %swap3A_205 = arith.constant 48 : index
      %swap3A_206 = tpu.vector_load %arg16[%swap3A_204, %swap3A_205] {strides = array<i32>} : memref<125x64xf32, #tpu.memory_space<vmem>>, vector<1x16xf32>,
      %swap3A_207 = vector.shape_cast %swap3A_206 : vector<1x16xf32> to vector<16xf32>
      %swap3A_208 = vector.shape_cast %sub3A_203 : vector<16xf32> to vector<1x16xf32>
      tpu.vector_store %arg16[%swap3A_204, %swap3A_205], %swap3A_208 {strides = array<i32>} : memref<125x64xf32, #tpu.memory_space<vmem>>, vector<1x16xf32>,
      %scan3A_209 = arith.constant 0 : i32
      scf.yield %scan3A_209 : i32
    }
    %scan3A_153 = arith.constant 125 : i32
    "tpu.region"() ({
      %run_scoped3A = tpu.sem_alloc : memref<!tpu.dma_semaphore, #tpu.memory_space<semaphore_mem>>
      %dma_start3A_154 = tpu.memref_slice %arg5[%add3A_146, %mul3A_0] : memref<10000x128xf32, #tpu.memory_space<hbm>> -> memref<125x64xf32, #tpu.memory_space<hbm>>
      %dma_start3A_155 = tpu.memref_slice %arg5[%add3A_146, %mul3A_0] : memref<10000x128xf32, #tpu.memory_space<hbm>> -> memref<125x64xf32, #tpu.memory_space<hbm>>
      tpu.enqueue_dma source(%arg16 : memref<125x64xf32, #tpu.memory_space<vmem>>) target(%dma_start3A_155 : memref<125x64xf32, #tpu.memory_space<hbm>>) target_semaphore(%run_scoped3A : memref<!tpu.dma_semaphore, #tpu.memory_space<semaphore_mem>>)
      %dma_wait3A = tpu.memref_slice %arg5[%add3A_146, %mul3A_0] : memref<10000x128xf32, #tpu.memory_space<hbm>> -> memref<125x64xf32, #tpu.memory_space<hbm>>
      %dma_wait3A_156 = tpu.memref_slice %arg5[%add3A_146, %mul3A_0] : memref<10000x128xf32, #tpu.memory_space<hbm>> -> memref<125x64xf32, #tpu.memory_space<hbm>>
      tpu.wait_dma2 semaphore(%run_scoped3A : memref<!tpu.dma_semaphore, #tpu.memory_space<semaphore_mem>>) src(%arg16 : memref<125x64xf32, #tpu.memory_space<vmem>>) dst(%dma_wait3A_156 : memref<125x64xf32, #tpu.memory_space<hbm>>)
      tpu.yield
    }) : () -> ()
    return
  }
}

</mosaic_0001>

<sc_bundles>
// kernel: kernel.3.cloned.1.call-start
scs
__scs_entry_jumppad:
0x0: {  	(pc) =	sbr.rel $0x88, $3  }
0x1: {  	(tag) =	ssettag $0x0;
	lr =	simm.s32 $0x1  }
0x2: {  	[smem:$0x3F9E] =	sst lr;
	_ =	strace $0xD0000000  }
0x3: {  	_ = 	snop  }
0x4: {  	_ = 	snop  }
0x5: {  	_ = 	snop  }
0x6: {  	_ = 	snop  }
0x7: {  	_ = 	snop  }
__scs_overlays_trampoline_lowered:
0x8: {  	[smem:$0x3FAD] =	sst s0  }
0x9: {  	[smem:$0x3FAE] =	sst s1  }
0xa: {  	[smem:$0x3FAF] =	sst s2  }
0xb: {  	[smem:$0x3FB0] =	sst s3  }
0xc: {  	[smem:$0x3FB1] =	sst s4  }
0xd: {  	[smem:$0x3FB2] =	sst s5  }
0xe: {  	[smem:$0x3FB3] =	sst s6  }
0xf: {  	[smem:$0x3FB4] =	sst s7  }
0x10: {  	[smem:$0x3FB5] =	sst s8  }
0x11: {  	[smem:$0x3FB6] =	sst s9;
	s0 =	simm.s32 @!p0 $0x0  }
0x12: {  	s1 =	sld [smem:$0x3F9C];
	s0 =	simm.s32 @p0 $0x1  }
0x13: {  	[smem:$0x3FB7] =	sst s0;
	s0 =	simm.s32 @!p1 $0x0  }
0x14: {  	s2 =	sld [smem:$0x3F9B];
	s0 =	simm.s32 @p1 $0x1  }
0x15: {  	[smem:$0x3FB8] =	sst s0;
	s0 =	simm.s32 @!p2 $0x0  }
0x16: {  	s3 =	sld [smem:$0x3FDB];
	s0 =	simm.s32 @p2 $0x1  }
0x17: {  	s4 =	simm.s32 $0x1BF5;
	[smem:$0x3FBA] =	sst s0  }
0x18: {  	s0 =	sld [smem:$0x3F9D];
	_ =	swait.ge [sflag:s4], $0x0  }
0x19: {  	s7 =	sld [smem:$0x3F9E]  }
0x1a: {  	s8 =	sadd.s32 $0xFFFFE003, lr  }
0x1b: {  	s9 =	sadd.s32 $0xFFFFFEF7, lr;
	s5 =	simm.s32 $0xFFFFFFFF;
	p2 =	slt.u32 s8, $0xFFFFF086  }
0x1c: {  	p1 =	slt.u32 s9, $0xF7A;
	s5 =	simm.s32 @!p2 $0x0  }
0x1d: {  	s5 =	simm.s32 @p1 $0x1;
	p0 =	seq.s32 s7, s2  }
0x1e: {  	s7 =	smul.u32 @!p0 $0xF7A, s2;
	p2 =	seq.s32 @!p0 s5, $0x0  }
0x1f: {  	s9 =	smul.u32 $0xF7A, s1;
	s8 =	simm.s32 @!p0 $0x1BF5;
	p2 =	por !p2, p0  }
0x20: {  	[sflag:s8] =	ssyncset.s32 @!p0 $0xFFFFF086;
	s6 =	sadd.s32 @!p0 s3, s7;
	s7 =	simm.s32 @!p0 $0x108  }
0x21: {  	s3 =	sadd.s32 s3, s9;
	s6 =	sadd.s32 @!p0 $0x88, s6;
	s7 =	simm.s32 @p2 $0x1082  }
0x22: {  	[simem:s7], [sflag:s8] =	dma.local @!p0 [hbm:s6], $0xF7A  }
0x23: {  	s9 =	sor.u32 $0xD0000000, s2;
	s6 =	simm.s32 $0x108;
	_ =	swait.ge @!p0 [sflag:s8], $0x0  }
0x24: {  	s3 =	sadd.s32 $0x88, s3;
	s6 =	simm.s32 @!p1 $0x1082;
	[sflag:s4] =	ssyncset.s32 $0xFFFFF086  }
0x25: {  	[simem:s6], [sflag:s4] =	dma.local [hbm:s3], $0xF7A  }
0x26: {  	[smem:$0x3F9E] =	sst s1;
	(tag) =	ssettag s2;
	_ =	strace s9  }
0x27: {  	s1 =	sld [smem:$0x3FAE]  }
0x28: {  	s2 =	sld [smem:$0x3FAF]  }
0x29: {  	s4 =	sld [smem:$0x3FB1]  }
0x2a: {  	p0 =	seq.s32 s5, $0x0;
	s5 =	sld [smem:$0x3FB2]  }
0x2b: {  	s6 =	sld [smem:$0x3FB3]  }
0x2c: {  	s7 =	sld [smem:$0x3FB4]  }
0x2d: {  	s3 =	simm.s32 $0x108;
	s8 =	sld [smem:$0x3FB5]  }
0x2e: {  	s3 =	simm.s32 @!p0 $0x1082;
	s9 =	sld [smem:$0x3FB6]  }
0x2f: {  	lr =	sadd.s32 s0, s3;
	s0 =	sld [smem:$0x3FAD]  }
0x30: {  	s3 =	sld [smem:$0x3FB0]  }
0x31: {  	[smem:$0x3FB9] =	sst s10  }
0x32: {  	s10 =	sld [smem:$0x3FB7];
	_ =	sdelay $0x3  }
0x33: {  	p0 =	seq.s32 s10, $0x1;
	s10 =	sld [smem:$0x3FB9];
	_ =	sdelay $0x3  }
0x34: {  	[smem:$0x3FB9] =	sst s10  }
0x35: {  	s10 =	sld [smem:$0x3FB8];
	_ =	sdelay $0x3  }
0x36: {  	p1 =	seq.s32 s10, $0x1;
	s10 =	sld [smem:$0x3FB9];
	_ =	sdelay $0x3  }
0x37: {  	[smem:$0x3FB9] =	sst s10  }
0x38: {  	s10 =	sld [smem:$0x3FBA]  }
0x39: {  	_ = 	snop;
	(pc) =	sbr.ind lr, $3  }
0x3a: {  	_ = 	snop  }
0x3b: {  	_ = 	snop  }
0x3c: {  	p2 =	seq.s32 s10, $0x1;
	s10 =	sld [smem:$0x3FB9]  }
0x3d: {  	_ =	shalt  }
0x3e: {  	_ =	shalt  }
0x3f: {  	_ =	shalt  }
0x40: {  	_ =	shalt  }
0x41: {  	_ =	shalt  }
0x42: {  	_ =	shalt  }
0x43: {  	_ =	shalt  }
0x44: {  	_ =	shalt  }
0x45: {  	_ =	shalt  }
0x46: {  	_ =	shalt  }
0x47: {  	_ =	shalt  }
0x48: {  	_ =	shalt  }
0x49: {  	_ =	shalt  }
0x4a: {  	_ =	shalt  }
0x4b: {  	_ =	shalt  }
0x4c: {  	_ =	shalt  }
0x4d: {  	_ =	shalt  }
0x4e: {  	_ =	shalt  }
0x4f: {  	_ =	shalt  }
0x50: {  	_ =	shalt  }
0x51: {  	_ =	shalt  }
0x52: {  	_ =	shalt  }
0x53: {  	_ =	shalt  }
0x54: {  	_ =	shalt  }
0x55: {  	_ =	shalt  }
0x56: {  	_ =	shalt  }
0x57: {  	_ =	shalt  }
0x58: {  	_ =	shalt  }
0x59: {  	_ =	shalt  }
0x5a: {  	_ =	shalt  }
0x5b: {  	_ =	shalt  }
0x5c: {  	_ =	shalt  }
0x5d: {  	_ =	shalt  }
0x5e: {  	_ =	shalt  }
0x5f: {  	_ =	shalt  }
0x60: {  	_ =	shalt  }
0x61: {  	_ =	shalt  }
0x62: {  	_ =	shalt  }
0x63: {  	_ =	shalt  }
0x64: {  	_ =	shalt  }
0x65: {  	_ =	shalt  }
0x66: {  	_ =	shalt  }
0x67: {  	_ =	shalt  }
0x68: {  	_ =	shalt  }
0x69: {  	_ =	shalt  }
0x6a: {  	_ =	shalt  }
0x6b: {  	_ =	shalt  }
0x6c: {  	_ =	shalt  }
0x6d: {  	_ =	shalt  }
0x6e: {  	_ =	shalt  }
0x6f: {  	_ =	shalt  }
0x70: {  	_ =	shalt  }
0x71: {  	_ =	shalt  }
0x72: {  	_ =	shalt  }
0x73: {  	_ =	shalt  }
0x74: {  	_ =	shalt  }
0x75: {  	_ =	shalt  }
0x76: {  	_ =	shalt  }
0x77: {  	_ =	shalt  }
0x78: {  	_ =	shalt  }
0x79: {  	_ =	shalt  }
0x7a: {  	_ =	shalt  }
0x7b: {  	_ =	shalt  }
0x7c: {  	_ =	shalt  }
0x7d: {  	_ =	shalt  }
0x7e: {  	_ =	shalt  }
0x7f: {  	_ =	shalt  }
0x80: {  	_ =	shalt  }
0x81: {  	_ =	shalt  }
0x82: {  	_ =	shalt  }
0x83: {  	_ =	shalt  }
0x84: {  	_ =	shalt  }
0x85: {  	_ =	shalt  }
0x86: {  	_ =	shalt  }
0x87: {  	_ =	shalt  }
.Lfunc_end0:
.L_simem_size_0:
called_computation_lowered:
.L_overlay_start_0:
0x88: {  	s2 =	sld [smem:$0x3FD9]  }
0x89: {  	s3 =	sld [smem:$0x3FFE];
	_ =	sdelay $0x1  }
0x8a: {  	s1 =	srdreg.scid  }
0x8b: {  	s0 =	sand.u32 $0x1, s1  }
0x8c: {  	s18 =	sshll.u32 s0, $0xA;
	s2 =	sadd.s32 s3, s2  }
0x8d: {  	s2 =	sadd.s32 s2, s18  }
0x8e: {  	[smem:$0x3FC5] =	sst s2  }
0x8f: {  	_ = 	snop  }
0x90: {  	s2 =	sld [smem:$0x3FC9]  }
0x91: {  	s19 =	sld [smem:$0x3FC8]  }
0x92: {  	s4 =	sld [smem:$0x3FC7]  }
0x93: {  	s5 =	sld [smem:$0x3FD0];
	(tm) =	ssettm $0x1  }
0x94: {  	s6 =	sld [smem:$0x3FFB];
	_ =	sdelay $0x3  }
0x95: {  	_ =	strace s6  }
0x96: {  	s6 =	sld [smem:$0x3FFC];
	_ =	sdelay $0x3  }
0x97: {  	_ =	strace s6  }
0x98: {  	s6 =	sld [smem:$0x3FFD];
	_ =	sdelay $0x3  }
0x99: {  	_ =	strace s6  }
0x9a: {  	_ =	strace $0x8FFFFFFF  }
0x9b: {  	s20 =	sld [smem:$0x3FDB];
	_ =	sdelay $0x1  }
0x9c: {  	s7 =	simm.s32 $_scs_section_size  }
0x9d: {  	s8 =	simm.s32 $_size__tile_overlayer_lowered;
	s9 =	simm.s32 $_tile_overlayer_lowered  }
0x9e: {  	s23 =	simm.s32 $0x1BFF;
	s22 =	sshll.u32 s9, $0x1;
	s6 =	sadd.s32 s7, s20  }
0x9f: {  	s10 =	simm.s32 $0x0;
	s21 =	sshll.u32 s8, $0x1;
	s8 =	sadd.s32 s22, s6  }
0xa0: {  	[timem:s10], [sflag:s23] =	dma.local [hbm:s8], s21  }
0xa1: {  	_ =	swait.ge [sflag:s23], s21  }
0xa2: {  	s7 =	ssub.s32 $0x0, s21;
	[sflag:s23] =	ssyncset.done $0x0  }
0xa3: {  	[sflag:s23] =	ssyncadd.s32 s7;
	_ =	sdelay $0x1  }
0xa4: {  	s24 =	simm.s32 $0x1B8B  }
0xa5: {  	_ =	swait.ge [sflag:s24], $0x1  }
0xa6: {  	[sflag:s24] =	ssyncset.done $0x0  }
0xa7: {  	s25 =	simm.s32 $0x1B8E;
	[sflag:s24] =	ssyncadd.s32 $0xFFFFFFFF  }
0xa8: {  	s26 =	simm.s32 $execute0_lowered;
	[smem:$0x3FD2] =	sst s25  }
0xa9: {  	s7 =	sshll.u32 s26, $0x1;
	_ =	strace $0x80000046;
	[dreg:$0x1] =	wrdreg $0xFFFFFFFF  }
0xaa: {  	s28 =	simm.s32 $_size_execute0_lowered;
	s6 =	sadd.s32 s6, s7;
	[dreg:$0x0] =	wrdreg $0x0  }
0xab: {  	s7 =	sshll.u32 s28, $0x1;
	[dreg:$0x2] =	wrdreg s6  }
0xac: {  	[dreg:$0x3] =	wrdreg s7  }
0xad: {  	[dreg:$0x4] =	wrdreg $0xC0  }
0xae: {  	_ =	task [dreg:s10], $0x5FFFF  }
0xaf: {  	[dreg:$0x1] =	wrdreg $0xFFFFFFFF  }
0xb0: {  	[dreg:$0x0] =	wrdreg $0x60  }
0xb1: {  	[dreg:$0x2] =	wrdreg s2  }
0xb2: {  	[dreg:$0x3] =	wrdreg s19  }
0xb3: {  	[dreg:$0x4] =	wrdreg s4  }
0xb4: {  	[dreg:$0x5] =	wrdreg s5  }
0xb5: {  	[dreg:$0x6] =	wrdreg $0x0  }
0xb6: {  	[dreg:$0x7] =	wrdreg $0x9C400  }
0xb7: {  	[dreg:$0x8] =	wrdreg $0x9  }
0xb8: {  	_ =	task.clear_ibuf [dreg:s10], $0x9FFFF;
	_ =	strace $0x90000046  }
0xb9: {  	s29 =	simm.s32 $0x9;
	_ =	strace $0x80000048  }
0xba: {  	_ =	swait.ge [sflag:s29], $0x1  }
0xbb: {  	[sflag:s29] =	ssyncadd.s32 $0xFFFFFFFF  }
0xbc: {  	_ =	strace $0x90000048  }
0xbd: {  	_ =	sfence  }
0xbe: {  	s30 =	sld [smem:$0x0];
	_ =	sdelay $0x2  }
0xbf: {  	s31 =	sshll.u32 s1, $0xD;
	s1 =	sshrl.u32 s1, $0x2  }
0xc0: {  	s3 =	sand.u32 $0x4000, s31;
	s1 =	sadd.s32 s1, s30  }
0xc1: {  	s0 =	sor.u32 s3, s0;
	s1 =	sshll.u32 s1, $0x11  }
0xc2: {  	s0 =	sor.u32 s1, s0  }
0xc3: {  	s0 =	sadd.s32 $0x8F2B, s0  }
0xc4: {  	[sflag:s0] =	ssyncadd.remote.s32 $0x1  }
0xc5: {  	_ =	sfence.sel $0xFFFF  }
0xc6: {  	[dreg:$0x0] =	wrdreg $0xFFFFFFFF;
	(pc) =	sbr.abs _section_cstart, $3  }
0xc7: {  	[dreg:$0x1] =	wrdreg $0xFFFFFFFF  }
0xc8: {  	_ =	task.clear_ibuf [dreg:s10], $0x2FFFF;
	_ =	strace $0x9FFFFFFF  }
0xc9: {  	(tm) =	ssettm $0x7FFFFFFF  }
tec
execute0_lowered:
.L_overlay_start_1:
0x0: {  	(tag) =	ssettag $0x1  }
0x1: {  	s1 =	rddreg [dreg:$0x0]  }
0x2: {  	s19 =	rddreg [dreg:$0x1]  }
0x3: {  	s20 =	rddreg [dreg:$0x2]  }
0x4: {  	s0 =	rddreg [dreg:$0x3];
	s21 =	stileid.u32  }
0x5: {  	s4 =	rddreg [dreg:$0x4];
	s5 =	smul.u32 $0x9C4, s21  }
0x6: {  	s6 =	rddreg [dreg:$0x5];
	s11 =	smul.u32 $0x271000, s21  }
0x7: {  	s2 =	srdreg.scid;
	s23 =	smul.u32 $0x4E20, s21  }
0x8: {  	s7 =	simm.s32 $0x0;
	s31 =	simm.s32 $0x14C80;
	s12 =	smul.u32 $0x271, s21  }
0x9: {  	s2 =	sand.u32 $0x1, s2;
	[smem:$0x7FF] =	sst s7;
	s14 =	smul.u32 $0x13880, s21  }
0xa: {  	s3 =	ssub.s32 $0x2, s2;
	_ =	strace $0x80000047;
	s22 =	sshll.u32 s2, $0x6  }
0xb: {  	s8 =	sshrl.u32 s3, $0x1;
	s9 =	sadd.s32 s19, s5;
	s10 =	sadd.s32 s20, s5  }
0xc: {  	s5 =	sor.u32 s22, s11;
	s2 =	sadd.s32 $0x50, s23;
	s13 =	sadd.s32 $0x7D, s12  }
0xd: {  	s15 =	sadd.s32 $0xFA, s12;
	s17 =	sadd.s32 $0x177, s12;
	s14 =	sor.u32 s22, s14  }
0xe: {  	s12 =	sadd.s32 $0x1F4, s12;
	[dreg:$0x7] =	wrdreg s22;
	s3 =	ssub.s32 s3, s8  }
0xf: {  	s11 =	sshrl.u32 s5, $0x3;
	s16 =	sshll.u32 s13, $0x7;
	s14 =	sshrl.u32 s14, $0x3  }
0x10: {  	s25 =	sshll.u32 s15, $0x7;
	s26 =	sshll.u32 s17, $0x7;
	s18 =	sshll.u32 s12, $0x7  }
0x11: {  	s8 =	sshll.u32 s13, $0x6;
	s13 =	sshll.u32 s17, $0x6;
	s17 =	sadd.s32 $0xC800, s5  }
0x12: {  	s11 =	sadd.s32 s1, s11;
	s16 =	sor.u32 s22, s16;
	s14 =	sadd.s32 s0, s14  }
0x13: {  	s18 =	sor.u32 s22, s18;
	s29 =	sadd.s32 s13, s4;
	[dreg:$0x8] =	wrdreg s11  }
0x14: {  	s30 =	sadd.s32 s13, s6;
	s13 =	simm.s32 $0x80;
	[dreg:$0x9] =	wrdreg s14  }
0x15: {  	s11 =	sshrl.u32 s2, $0x3;
	s2 =	sshll.u32 s2, $0x7;
	[dreg:$0x17] =	wrdreg s29  }
0x16: {  	s16 =	sshrl.u32 s16, $0x3;
	s14 =	sor.u32 s22, s25;
	[dreg:$0x18] =	wrdreg s30  }
0x17: {  	s2 =	sor.u32 s22, s2;
	s24 =	sadd.s32 s0, s16;
	s14 =	sshrl.u32 s14, $0x3  }
0x18: {  	s16 =	sor.u32 s22, s26;
	s25 =	sadd.s32 s19, s11;
	[dreg:$0xa] =	wrdreg s24  }
0x19: {  	s22 =	sshrl.u32 s18, $0x3;
	s26 =	sadd.s32 s20, s11;
	[dreg:$0xe] =	wrdreg s25  }
0x1a: {  	s11 =	sshll.u32 s15, $0x6;
	s18 =	smax.u32 s3, $0x1;
	[dreg:$0xf] =	wrdreg s26  }
0x1b: {  	s19 =	sadd.s32 $0x5000, s5;
	s20 =	sadd.s32 $0xA000, s5;
	[dreg:$0x1b] =	wrdreg s18  }
0x1c: {  	s5 =	simm.s32 $0x9;
	s14 =	sadd.s32 s0, s14;
	[dreg:$0x1d] =	wrdreg s20  }
0x1d: {  	s3 =	simm.s32 $0x0;
	s15 =	sadd.s32 s11, s4;
	[dreg:$0xb] =	wrdreg s14  }
0x1e: {  	s16 =	sshrl.u32 s16, $0x3;
	s28 =	sadd.s32 s11, s6;
	[dreg:$0x15] =	wrdreg s15  }
0x1f: {  	s2 =	sshrl.u32 s2, $0x3;
	s23 =	sadd.s32 s0, s16;
	[dreg:$0x16] =	wrdreg s28  }
0x20: {  	s24 =	smul.u32 $0x9C40, s21;
	s0 =	sadd.s32 s0, s22;
	[dreg:$0xc] =	wrdreg s23  }
0x21: {  	s26 =	smul.u32 $0xFA, s21;
	s2 =	sadd.s32 s1, s2;
	[dreg:$0xd] =	wrdreg s0  }
0x22: {  	s25 =	sshrl.u32 s19, $0x3;
	s14 =	sshll.u32 s12, $0x6;
	[dreg:$0x10] =	wrdreg s2  }
0x23: {  	s11 =	simm.s32 $0x40;
	s0 =	sadd.s32 s14, s6;
	[dreg:$0x1f] =	wrdreg s26  }
0x24: {  	s18 =	simm.s32 $0x18920;
	s16 =	sadd.s32 s24, s4;
	[dreg:$0x1a] =	wrdreg s0  }
0x25: {  	s19 =	simm.s32 $0x18970;
	s22 =	sadd.s32 s24, s6;
	[dreg:$0x11] =	wrdreg s16  }
0x26: {  	s20 =	simm.s32 $0x1;
	s23 =	sadd.s32 s8, s4;
	[dreg:$0x12] =	wrdreg s22  }
0x27: {  	s21 =	simm.s32 $0x50;
	s24 =	sadd.s32 s8, s6;
	[dreg:$0x13] =	wrdreg s23  }
0x28: {  	s12 =	sadd.s32 s14, s4;
	s0 =	sshrl.u32 s17, $0x3;
	[dreg:$0x14] =	wrdreg s24  }
0x29: {  	s26 =	simm.s32 $0x5;
	[dreg:$0x19] =	wrdreg s12;
	s0 =	sadd.s32 s0, s1  }
0x2a: {  	s17 =	simm.s32 $0x13880;
	[dreg:$0x1c] =	wrdreg s0;
	s0 =	sadd.s32 s25, s1  }
0x2b: {  	v0 =	vimm.f32 $0.0e+00;
	s25 =	simm.s32 $0x2;
	[dreg:$0x1e] =	wrdreg s0;
	s0 =	simm.s32 $0x18B00  }
.LBB2_1:
0x2c: {  	s2 =	simm.s32 $0x18880  }
0x2d: {  	[tilespmem:s2], [sflag:$0x1] =	stream.linear.gather [hbm4b:s9+s7], $0x50, $0x38;
	[tilespmem:$0x1C980] =	vst v63  }
0x2e: {  	[smem:$0x7FD] =	sst s3;
	s3 =	simm.s32 $0x188D0  }
0x2f: {  	[tilespmem:s3], [sflag:$0x1] =	stream.linear.gather [hbm4b:s10+s7], $0x50, $0x38;
	[tilespmem:$0x1C980] =	vst v63  }
0x30: {  	s8 =	rddreg [dreg:$0x8]  }
0x31: {  	[tilespmem:s17], [sflag:$0x1] =	stream.strided.gather [hbm4b:s8+s11], $0x1400, s13, s11, $0x38;
	[tilespmem:$0x1C980] =	vst v63  }
0x32: {  	s13 =	rddreg [dreg:$0xe]  }
0x33: {  	[tilespmem:s18], [sflag:$0x2] =	stream.linear.gather [hbm4b:s13+s7], $0x50, $0x38;
	[tilespmem:$0x1C980] =	vst v63  }
0x34: {  	s14 =	rddreg [dreg:$0xf]  }
0x35: {  	[tilespmem:s19], [sflag:$0x2] =	stream.linear.gather [hbm4b:s14+s7], $0x50, $0x38;
	[tilespmem:$0x1C980] =	vst v63  }
0x36: {  	s2 =	simm.s32 $0x0;
	s3 =	rddreg [dreg:$0x10];
	s8 =	simm.s32 $0x80  }
0x37: {  	[tilespmem:s31], [sflag:$0x2] =	stream.strided.gather [hbm4b:s3+s11], $0x1400, s8, s11, $0x38;
	[tilespmem:$0x1C980] =	vst v63  }
0x38: {  	s13 =	simm.s32 $0x40;
	s14 =	simm.s32 $0x80;
	s3 =	simm.s32 $0x100  }
.LBB2_2:
0x39: {  	p0 =	sne.s32 s3, $0x7C00;
	[tilespmem:s2+$0x18B30] =	vst v0;
	s11 =	smov.u32 s3;
	s3 =	sadd.s32 $0x100, s3  }
.Ltmp0:
0x3a: {  	[tilespmem:s2+$0x18B20] =	vst v0;
	(pc) =	sbr.rel @p0 .LBB2_2-.Ltmp0, $3  }
0x3b: {  	[tilespmem:s2+$0x18B00] =	vst v0  }
0x3c: {  	[tilespmem:s2+$0x18B10] =	vst v0;
	_ =	sdelay $0x1  }
0x3d: {  	s2 =	sshra.s32 s11, $0x2  }
0x3e: {  	[tilespmem:s2+$0x18B30] =	vst v0  }
0x3f: {  	[tilespmem:s2+$0x18B20] =	vst v0  }
0x40: {  	[tilespmem:s2+$0x18B00] =	vst v0  }
0x41: {  	[tilespmem:s2+$0x18B10] =	vst v0  }
0x42: {  	[spmem:s16] =	stream.linear.scatter [tilespmem:s0], [sflag:$0x9], $0x1F40, $0x38;
	[tilespmem:$0x1C980] =	vst v63  }
0x43: {  	_ =	swait.ge [sflag:s5], $0x1F40  }
0x44: {  	[sflag:s5] =	ssyncset.done $0x0  }
0x45: {  	[sflag:s5] =	ssyncadd.s32 $0xFFFFE0C0  }
0x46: {  	[spmem:s22] =	stream.linear.scatter [tilespmem:s0], [sflag:$0x9], $0x1F40, $0x38;
	[tilespmem:$0x1C980] =	vst v63  }
0x47: {  	_ =	swait.ge [sflag:s5], $0x1F40  }
0x48: {  	[sflag:s5] =	ssyncset.done $0x0  }
0x49: {  	[sflag:s5] =	ssyncadd.s32 $0xFFFFE0C0  }
0x4a: {  	[spmem:s23] =	stream.linear.scatter [tilespmem:s0], [sflag:$0x9], $0x1F40, $0x38;
	[tilespmem:$0x1C980] =	vst v63  }
0x4b: {  	_ =	swait.ge [sflag:s5], $0x1F40  }
0x4c: {  	[sflag:s5] =	ssyncset.done $0x0  }
0x4d: {  	[sflag:s5] =	ssyncadd.s32 $0xFFFFE0C0  }
0x4e: {  	[spmem:s24] =	stream.linear.scatter [tilespmem:s0], [sflag:$0x9], $0x1F40, $0x38;
	[tilespmem:$0x1C980] =	vst v63  }
0x4f: {  	_ =	swait.ge [sflag:s5], $0x1F40  }
0x50: {  	[sflag:s5] =	ssyncset.done $0x0  }
0x51: {  	[sflag:s5] =	ssyncadd.s32 $0xFFFFE0C0  }
0x52: {  	[spmem:s15] =	stream.linear.scatter [tilespmem:s0], [sflag:$0x9], $0x1F40, $0x38;
	[tilespmem:$0x1C980] =	vst v63  }
0x53: {  	_ =	swait.ge [sflag:s5], $0x1F40  }
0x54: {  	[sflag:s5] =	ssyncset.done $0x0  }
0x55: {  	[sflag:s5] =	ssyncadd.s32 $0xFFFFE0C0  }
0x56: {  	[spmem:s28] =	stream.linear.scatter [tilespmem:s0], [sflag:$0x9], $0x1F40, $0x38;
	[tilespmem:$0x1C980] =	vst v63  }
0x57: {  	_ =	swait.ge [sflag:s5], $0x1F40  }
0x58: {  	[sflag:s5] =	ssyncset.done $0x0  }
0x59: {  	[sflag:s5] =	ssyncadd.s32 $0xFFFFE0C0  }
0x5a: {  	[spmem:s29] =	stream.linear.scatter [tilespmem:s0], [sflag:$0x9], $0x1F40, $0x38;
	[tilespmem:$0x1C980] =	vst v63  }
0x5b: {  	_ =	swait.ge [sflag:s5], $0x1F40  }
0x5c: {  	[sflag:s5] =	ssyncset.done $0x0  }
0x5d: {  	[sflag:s5] =	ssyncadd.s32 $0xFFFFE0C0  }
0x5e: {  	[spmem:s30] =	stream.linear.scatter [tilespmem:s0], [sflag:$0x9], $0x1F40, $0x38;
	[tilespmem:$0x1C980] =	vst v63  }
0x5f: {  	_ =	swait.ge [sflag:s5], $0x1F40  }
0x60: {  	[sflag:s5] =	ssyncset.done $0x0  }
0x61: {  	[sflag:s5] =	ssyncadd.s32 $0xFFFFE0C0  }
0x62: {  	[spmem:s12] =	stream.linear.scatter [tilespmem:s0], [sflag:$0x9], $0x1F40, $0x38;
	[tilespmem:$0x1C980] =	vst v63  }
0x63: {  	_ =	swait.ge [sflag:s5], $0x1F40  }
0x64: {  	[sflag:s5] =	ssyncset.done $0x0  }
0x65: {  	s28 =	rddreg [dreg:$0x1a];
	[sflag:s5] =	ssyncadd.s32 $0xFFFFE0C0  }
0x66: {  	[spmem:s28] =	stream.linear.scatter [tilespmem:s0], [sflag:$0x9], $0x1F40, $0x38;
	[tilespmem:$0x1C980] =	vst v63  }
0x67: {  	_ =	swait.ge [sflag:s5], $0x1F40  }
0x68: {  	[sflag:s5] =	ssyncset.done $0x0  }
.Ltmp1:
0x69: {  	[sflag:s5] =	ssyncadd.s32 $0xFFFFE0C0;
	(pc) =	sbr.rel .LBB2_4-.Ltmp1, $4  }
0x6a: {  	[bflag:$0x0] =	sbarrier.arrive $0xFFFF  }
0x6b: {  	s11 =	rddreg [dreg:$0x1e]  }
0x6c: {  	s22 =	simm.s32 $0x0;
	s2 =	rddreg [dreg:$0x1d]  }
0x6d: {  	s29 =	simm.s32 $0x0;
	s30 =	simm.s32 $0x3;
	s3 =	rddreg [dreg:$0x1c]  }
.LBB2_7:
0x6e: {  	_ =	swait.ge [sflag:s25], $0x50  }
0x6f: {  	[sflag:s25] =	ssyncset.done $0x0  }
0x70: {  	[sflag:s25] =	ssyncadd.s32 $0xFFFFFFB0  }
0x71: {  	_ =	swait.ge [sflag:s25], $0x50  }
0x72: {  	[sflag:s25] =	ssyncset.done $0x0  }
0x73: {  	[sflag:s25] =	ssyncadd.s32 $0xFFFFFFB0  }
0x74: {  	_ =	swait.ge [sflag:s25], $0x1400  }
0x75: {  	[sflag:s25] =	ssyncset.done $0x0  }
0x76: {  	[sflag:s25] =	ssyncadd.s32 $0xFFFFEC00  }
0x77: {  	[spmem:s4] =	stream.indirect.scatter.add.f32 [tilespmem:s31], [sflag:$0x6], $0x40, s18, s21, $0xb8;
	[tilespmem:$0x1C980] =	vst v63  }
0x78: {  	_ = 	snop  }
0x79: {  	[spmem:s6] =	stream.indirect.scatter.add.f32 [tilespmem:s31], [sflag:$0x6], $0x40, s19, s21, $0xb8;
	[tilespmem:$0x1C980] =	vst v63  }
0x7a: {  	_ =	swait.ge [sflag:s26], $0x1400  }
0x7b: {  	[sflag:s26] =	ssyncset.done $0x0  }
0x7c: {  	[sflag:s26] =	ssyncadd.s32 $0xFFFFEC00  }
0x7d: {  	p4 =	sgt.u32 s22, $0x3D;
	_ =	swait.ge [sflag:s26], $0x1400  }
0x7e: {  	s8 =	sadd.s32 @!p4 s29, s9;
	s15 =	simm.s32 @!p4 $0x0;
	[sflag:s26] =	ssyncset.done $0x0  }
0x7f: {  	s16 =	simm.s32 @!p4 $0x18880;
	s8 =	sadd.s32 @!p4 $0x28, s8;
	[sflag:s26] =	ssyncadd.s32 $0xFFFFEC00  }
0x80: {  	[tilespmem:s16], [sflag:$0x1] =	stream.linear.gather @!p4 [hbm4b:s8+s15], $0x50, $0x38;
	[tilespmem:$0x1C980] =	vst v63  }
0x81: {  	p3 =	por $0x0, $0x0;
	s8 =	sadd.s32 @!p4 s29, s10  }
0x82: {  	p5 =	por @!p4 $0x1, $0x1;
	s16 =	simm.s32 @!p4 $0x188D0;
	s8 =	sadd.s32 @!p4 $0x28, s8  }
0x83: {  	[tilespmem:s16], [sflag:$0x1] =	stream.linear.gather @!p4 [hbm4b:s8+s15], $0x50, $0x38;
	[tilespmem:$0x1C980] =	vst v63  }
0x84: {  	s12 =	simm.s32 @!p4 $0x13880;
	p3 =	por @!p4 p5, p5;
	s8 =	sshrl.u32 @!p4 s2, $0x3  }
0x85: {  	s15 =	simm.s32 @!p4 $0x40;
	s16 =	simm.s32 @!p4 $0x80;
	s8 =	sadd.s32 @!p4 s1, s8  }
0x86: {  	[tilespmem:s12], [sflag:$0x1] =	stream.strided.gather @!p4 [hbm4b:s8+s15], $0x1400, s16, s15, $0x38;
	[tilespmem:$0x1C980] =	vst v63  }
.LBB2_8:
0x87: {  	s8 =	simm.s32 @!p0 $0x3  }
0x88: {  	_ =	swait.ge @!p0 [sflag:s8], $0x50  }
0x89: {  	[sflag:s8] =	ssyncset.done @!p0 $0x0  }
0x8a: {  	[sflag:s8] =	ssyncadd.s32 @!p0 $0xFFFFFFB0  }
0x8b: {  	_ =	swait.ge @!p0 [sflag:s8], $0x50  }
0x8c: {  	[sflag:s8] =	ssyncset.done @!p0 $0x0  }
0x8d: {  	[sflag:s8] =	ssyncadd.s32 @!p0 $0xFFFFFFB0  }
0x8e: {  	_ =	swait.ge @!p0 [sflag:s8], $0x1400  }
0x8f: {  	[sflag:s8] =	ssyncset.done @!p0 $0x0  }
0x90: {  	[sflag:s8] =	ssyncadd.s32 @!p0 $0xFFFFEC00;
	s8 =	simm.s32 @!p0 $0x50  }
0x91: {  	[spmem:s4] =	stream.indirect.scatter.add.f32 @!p0 [tilespmem:s28], [sflag:$0x7], $0x40, s23, s8, $0xb8;
	[tilespmem:$0x1C980] =	vst v63  }
0x92: {  	_ = 	snop  }
0x93: {  	[spmem:s6] =	stream.indirect.scatter.add.f32 @!p0 [tilespmem:s28], [sflag:$0x7], $0x40, s24, s8, $0xb8;
	[tilespmem:$0x1C980] =	vst v63  }
0x94: {  	s8 =	simm.s32 @!p1 $0x6  }
0x95: {  	_ =	swait.ge @!p1 [sflag:s8], $0x1400  }
0x96: {  	[sflag:s8] =	ssyncset.done @!p1 $0x0  }
0x97: {  	[sflag:s8] =	ssyncadd.s32 @!p1 $0xFFFFEC00  }
0x98: {  	_ =	swait.ge @!p1 [sflag:s8], $0x1400  }
0x99: {  	p0 =	por !p3, p1;
	[sflag:s8] =	ssyncset.done @!p1 $0x0  }
0x9a: {  	[sflag:s8] =	ssyncadd.s32 @!p1 $0xFFFFEC00;
	s8 =	sadd.s32 @!p0 s29, s9  }
0x9b: {  	s12 =	simm.s32 @!p0 $0x0;
	s15 =	simm.s32 @!p0 $0x18920;
	s8 =	sadd.s32 @!p0 $0x32, s8  }
0x9c: {  	[tilespmem:s15], [sflag:$0x2] =	stream.linear.gather @!p0 [hbm4b:s8+s12], $0x50, $0x38;
	[tilespmem:$0x1C980] =	vst v63  }
0x9d: {  	s8 =	sadd.s32 @!p0 s29, s10  }
0x9e: {  	s15 =	simm.s32 @!p0 $0x18970;
	s8 =	sadd.s32 @!p0 $0x32, s8  }
0x9f: {  	[tilespmem:s15], [sflag:$0x2] =	stream.linear.gather @!p0 [hbm4b:s8+s12], $0x50, $0x38;
	[tilespmem:$0x1C980] =	vst v63  }
0xa0: {  	s8 =	simm.s32 @!p0 $0x40;
	s12 =	simm.s32 @!p0 $0x80;
	s15 =	simm.s32 @!p0 $0x14C80  }
0xa1: {  	[tilespmem:s15], [sflag:$0x2] =	stream.strided.gather @!p0 [hbm4b:s3+s8], $0x1400, s12, s8, $0x38;
	[tilespmem:$0x1C980] =	vst v63  }
0xa2: {  	s8 =	simm.s32 @p2 $0x4  }
0xa3: {  	_ =	swait.ge @p2 [sflag:s8], $0x50  }
0xa4: {  	[sflag:s8] =	ssyncset.done @p2 $0x0  }
0xa5: {  	[sflag:s8] =	ssyncadd.s32 @p2 $0xFFFFFFB0  }
0xa6: {  	_ =	swait.ge @p2 [sflag:s8], $0x50  }
0xa7: {  	s22 =	sadd.s32 $0x1, s22;
	[sflag:s8] =	ssyncset.done @p2 $0x0  }
0xa8: {  	s2 =	sadd.s32 $0xA000, s2;
	s29 =	sadd.s32 $0x28, s29;
	[sflag:s8] =	ssyncadd.s32 @p2 $0xFFFFFFB0  }
0xa9: {  	s30 =	sadd.s32 $0x4, s30;
	p0 =	sne.s32 s29, $0xA00;
	_ =	swait.ge @p2 [sflag:s8], $0x1400  }
.Ltmp2:
0xaa: {  	s12 =	simm.s32 @p2 $0x18A60;
	[sflag:s8] =	ssyncset.done @p2 $0x0;
	(pc) =	sbr.rel @!p0 .LBB2_9-.Ltmp2, $4  }
0xab: {  	s15 =	simm.s32 @p2 $0x17480;
	[sflag:s8] =	ssyncadd.s32 @p2 $0xFFFFEC00;
	s8 =	simm.s32 @p2 $0x50  }
0xac: {  	[spmem:s4] =	stream.indirect.scatter.add.f32 @p2 [tilespmem:s15], [sflag:$0x8], $0x40, s12, s8, $0xb8;
	[tilespmem:$0x1C980] =	vst v63  }
0xad: {  	s11 =	sadd.s32 $0x1400, s11;
	s3 =	sadd.s32 $0x1400, s3;
	s12 =	simm.s32 @p2 $0x18AB0  }
0xae: {  	[spmem:s6] =	stream.indirect.scatter.add.f32 @p2 [tilespmem:s15], [sflag:$0x8], $0x40, s12, s8, $0xb8;
	[tilespmem:$0x1C980] =	vst v63  }
.LBB2_4:
0xaf: {  	s23 =	sadd.s32 $0xFFFFFFFB, s30  }
0xb0: {  	p1 =	sgt.u32 s23, $0xF9  }
0xb1: {  	s23 =	simm.s32 @!p1 $0x7  }
0xb2: {  	_ =	swait.ge @!p1 [sflag:s23], $0x1400  }
0xb3: {  	[sflag:s23] =	ssyncset.done @!p1 $0x0  }
0xb4: {  	[sflag:s23] =	ssyncadd.s32 @!p1 $0xFFFFEC00  }
0xb5: {  	s24 =	sadd.s32 $0xFFFFFFFF, s30;
	_ =	swait.ge @!p1 [sflag:s23], $0x1400  }
0xb6: {  	p0 =	sgt.u32 s24, $0xF9;
	[sflag:s23] =	ssyncset.done @!p1 $0x0  }
0xb7: {  	s28 =	simm.s32 @!p0 $0x0;
	[sflag:s23] =	ssyncadd.s32 @!p1 $0xFFFFEC00;
	s23 =	sadd.s32 @!p0 s29, s9  }
0xb8: {  	p1 =	seq.s32 s29, $0x9D8;
	s24 =	sadd.s32 @!p0 $0x14, s23;
	s23 =	simm.s32 @!p0 $0x189C0  }
0xb9: {  	[tilespmem:s23], [sflag:$0x3] =	stream.linear.gather @!p0 [hbm4b:s24+s28], $0x50, $0x38;
	[tilespmem:$0x1C980] =	vst v63  }
.Ltmp3:
0xba: {  	p3 =	por $0x0, $0x0;
	s24 =	sadd.s32 @!p0 s29, s10;
	(pc) =	sbr.rel @p1 .LBB2_8-.Ltmp3, $4  }
0xbb: {  	p2 =	por $0x0, $0x0;
	s8 =	sadd.s32 @!p0 $0x14, s24;
	s24 =	simm.s32 @!p0 $0x18A10  }
0xbc: {  	[tilespmem:s24], [sflag:$0x3] =	stream.linear.gather @!p0 [hbm4b:s8+s28], $0x50, $0x38;
	[tilespmem:$0x1C980] =	vst v63  }
0xbd: {  	s15 =	simm.s32 @!p0 $0x80;
	s8 =	simm.s32 @!p0 $0x40;
	s28 =	simm.s32 @!p0 $0x16080  }
0xbe: {  	[tilespmem:s28], [sflag:$0x3] =	stream.strided.gather @!p0 [hbm4b:s11+s8], $0x1400, s15, s8, $0x38;
	[tilespmem:$0x1C980] =	vst v63  }
0xbf: {  	_ =	swait.ge [sflag:s20], $0x50  }
0xc0: {  	[sflag:s20] =	ssyncset.done $0x0  }
0xc1: {  	[sflag:s20] =	ssyncadd.s32 $0xFFFFFFB0  }
0xc2: {  	_ =	swait.ge [sflag:s20], $0x50  }
0xc3: {  	[sflag:s20] =	ssyncset.done $0x0  }
0xc4: {  	[sflag:s20] =	ssyncadd.s32 $0xFFFFFFB0  }
0xc5: {  	_ =	swait.ge [sflag:s20], $0x1400  }
0xc6: {  	[sflag:s20] =	ssyncset.done $0x0  }
0xc7: {  	s8 =	simm.s32 $0x18880;
	p3 =	seq.s32 s29, $0x0;
	[sflag:s20] =	ssyncadd.s32 $0xFFFFEC00  }
0xc8: {  	[spmem:s4] =	stream.indirect.scatter.add.f32 [tilespmem:s17], [sflag:$0x5], $0x40, s8, s21, $0xb8;
	[tilespmem:$0x1C980] =	vst v63  }
0xc9: {  	s16 =	simm.s32 $0x188D0;
	p2 =	sgt.u32 @!p3 s30, $0xF9;
	s8 =	simm.s32 @!p3 $0x8  }
0xca: {  	[spmem:s6] =	stream.indirect.scatter.add.f32 [tilespmem:s17], [sflag:$0x5], $0x40, s16, s21, $0xb8;
	[tilespmem:$0x1C980] =	vst v63  }
0xcb: {  	p4 =	por p3, !p2;
	_ =	swait.ge @!p3 [sflag:s8], $0x1400  }
.Ltmp4:
0xcc: {  	[sflag:s8] =	ssyncset.done @!p3 $0x0;
	(pc) =	sbr.rel @!p4 .LBB2_7-.Ltmp4, $4  }
0xcd: {  	[sflag:s8] =	ssyncadd.s32 @!p3 $0xFFFFEC00  }
0xce: {  	_ =	swait.ge @!p3 [sflag:s8], $0x1400  }
0xcf: {  	[sflag:s8] =	ssyncset.done @!p3 $0x0  }
0xd0: {  	p2 =	por @!p3 $0x0, $0x0;
	[sflag:s8] =	ssyncadd.s32 @!p3 $0xFFFFEC00  }
0xd1: {  	s8 =	smov.u32 s30  }
0xd2: {  	s12 =	rddreg [dreg:$0x1f];
	s8 =	simm.s32 @p3 $0x3  }
0xd3: {  	s8 =	sadd.s32 s12, s8  }
0xd4: {  	s15 =	smul.u32 $0xA, s8  }
0xd5: {  	s16 =	rddreg [dreg:$0x1]  }
0xd6: {  	s12 =	simm.s32 $0x18A60;
	s16 =	sadd.s32 s16, s15  }
0xd7: {  	[tilespmem:s12], [sflag:$0x4] =	stream.linear.gather [hbm4b:s16+s7], $0x50, $0x38;
	[tilespmem:$0x1C980] =	vst v63  }
0xd8: {  	s16 =	rddreg [dreg:$0x2]  }
0xd9: {  	s8 =	smul.u32 $0x2800, s8;
	s15 =	sadd.s32 s16, s15;
	s16 =	simm.s32 $0x18AB0  }
0xda: {  	[tilespmem:s16], [sflag:$0x4] =	stream.linear.gather [hbm4b:s15+s7], $0x50, $0x38;
	[tilespmem:$0x1C980] =	vst v63  }
.Ltmp5:
0xdb: {  	s15 =	rddreg [dreg:$0x7];
	(pc) =	sbr.rel .LBB2_7-.Ltmp5, $4  }
0xdc: {  	s8 =	sor.u32 s15, s8  }
0xdd: {  	s8 =	sshrl.u32 s8, $0x3  }
0xde: {  	p2 =	por $0x1, $0x1;
	s16 =	simm.s32 $0x17480;
	s8 =	sadd.s32 s1, s8  }
0xdf: {  	[tilespmem:s16], [sflag:$0x4] =	stream.strided.gather [hbm4b:s8+s13], $0x1400, s14, s13, $0x38;
	[tilespmem:$0x1C980] =	vst v63  }
.LBB2_9:
0xe0: {  	[bflag:$0x0] =	sbarrier.arrive $0xFFFF  }
0xe1: {  	s16 =	rddreg [dreg:$0x11]  }
0xe2: {  	[tilespmem:s0], [sflag:$0x9] =	stream.linear.gather [spmem:s16], $0x1F40, $0x38;
	[tilespmem:$0x1C980] =	vst v63  }
0xe3: {  	_ =	swait.ge [sflag:s5], $0x1F40  }
0xe4: {  	[sflag:s5] =	ssyncset.done $0x0  }
0xe5: {  	s14 =	simm.s32 $0x1AA40;
	s22 =	rddreg [dreg:$0x12];
	[sflag:s5] =	ssyncadd.s32 $0xFFFFE0C0  }
0xe6: {  	[tilespmem:s14], [sflag:$0x9] =	stream.linear.gather [spmem:s22], $0x1F40, $0x38;
	[tilespmem:$0x1C980] =	vst v63  }
0xe7: {  	_ =	swait.ge [sflag:s5], $0x1F40  }
0xe8: {  	[sflag:s5] =	ssyncset.done $0x0  }
0xe9: {  	s2 =	simm.s32 $0x0;
	[sflag:s5] =	ssyncadd.s32 $0xFFFFE0C0  }
0xea: {  	v6 =	vld [tilespmem:s2+$0x1AA40]  }
0xeb: {  	v7 =	vld [tilespmem:s2+$0x1AA50]  }
0xec: {  	v2 =	vld [tilespmem:s2+$0x1AA60]  }
0xed: {  	v1 =	vld [tilespmem:s2+$0x1AA70]  }
0xee: {  	v3 =	vld [tilespmem:s2+$0x18B00]  }
0xef: {  	v5 =	vld [tilespmem:s2+$0x18B10]  }
0xf0: {  	s3 =	simm.s32 $0x100;
	v4 =	vld [tilespmem:s2+$0x18B20]  }
.LBB2_10:
0xf1: {  	s8 =	sshra.s32 s3, $0x2;
	p0 =	sne.s32 s3, $0x7C00;
	v8 =	vld [tilespmem:s2+$0x18B30];
	v9 =	vmov v2  }
0xf2: {  	v10 =	vld [tilespmem:s8+$0x1AA40];
	v11 =	vmov v1  }
0xf3: {  	v12 =	vld [tilespmem:s8+$0x1AA50];
	v3 =	vsub.f32 v3, v6  }
.Ltmp6:
0xf4: {  	v2 =	vld [tilespmem:s8+$0x1AA60];
	v5 =	vsub.f32 v5, v7;
	(pc) =	sbr.rel @p0 .LBB2_10-.Ltmp6, $4  }
0xf5: {  	v1 =	vld [tilespmem:s8+$0x1AA70];
	[tilespmem:s2+$0x18B00] =	vst v3;
	v4 =	vsub.f32 v4, v9  }
0xf6: {  	v3 =	vld [tilespmem:s8+$0x18B00];
	[tilespmem:s2+$0x18B10] =	vst v5;
	v8 =	vsub.f32 v8, v11  }
0xf7: {  	v5 =	vld [tilespmem:s8+$0x18B10];
	[tilespmem:s2+$0x18B20] =	vst v4;
	v6 =	vmov v10  }
0xf8: {  	s3 =	sadd.s32 $0x100, s3;
	v4 =	vld [tilespmem:s8+$0x18B20];
	[tilespmem:s2+$0x18B30] =	vst v8;
	v7 =	vmov v12;
	s2 =	smov.u32 s8  }
0xf9: {  	v8 =	vld [tilespmem:s2+$0x18B30];
	_ =	sdelay $0x1  }
0xfa: {  	v3 =	vsub.f32 v3, v6  }
0xfb: {  	v5 =	vsub.f32 v5, v7  }
0xfc: {  	[tilespmem:s2+$0x18B00] =	vst v3;
	v2 =	vsub.f32 v4, v2  }
0xfd: {  	[tilespmem:s2+$0x18B10] =	vst v5;
	v1 =	vsub.f32 v8, v1  }
0xfe: {  	[tilespmem:s2+$0x18B20] =	vst v2  }
0xff: {  	s24 =	rddreg [dreg:$0x9];
	s11 =	simm.s32 $0x40;
	s13 =	simm.s32 $0x80;
	[tilespmem:s2+$0x18B30] =	vst v1  }
0x100: {  	[hbm4b:s24+s11] =	stream.strided.scatter [tilespmem:s0], [sflag:$0x9], $0x1F40, s13, s11, $0x38;
	[tilespmem:$0x1C980] =	vst v63  }
0x101: {  	_ =	swait.ge [sflag:s5], $0x1F40  }
0x102: {  	[sflag:s5] =	ssyncset.done $0x0  }
0x103: {  	s23 =	rddreg [dreg:$0x13];
	[sflag:s5] =	ssyncadd.s32 $0xFFFFE0C0  }
0x104: {  	[tilespmem:s0], [sflag:$0x9] =	stream.linear.gather [spmem:s23], $0x1F40, $0x38;
	[tilespmem:$0x1C980] =	vst v63  }
0x105: {  	_ =	swait.ge [sflag:s5], $0x1F40  }
0x106: {  	[sflag:s5] =	ssyncset.done $0x0  }
0x107: {  	s24 =	rddreg [dreg:$0x14];
	[sflag:s5] =	ssyncadd.s32 $0xFFFFE0C0  }
0x108: {  	[tilespmem:s14], [sflag:$0x9] =	stream.linear.gather [spmem:s24], $0x1F40, $0x38;
	[tilespmem:$0x1C980] =	vst v63  }
0x109: {  	_ =	swait.ge [sflag:s5], $0x1F40  }
0x10a: {  	[sflag:s5] =	ssyncset.done $0x0  }
0x10b: {  	s2 =	simm.s32 $0x0;
	[sflag:s5] =	ssyncadd.s32 $0xFFFFE0C0  }
0x10c: {  	v6 =	vld [tilespmem:s2+$0x1AA40]  }
0x10d: {  	v7 =	vld [tilespmem:s2+$0x1AA50]  }
0x10e: {  	v2 =	vld [tilespmem:s2+$0x1AA60]  }
0x10f: {  	s15 =	rddreg [dreg:$0x15];
	v1 =	vld [tilespmem:s2+$0x1AA70]  }
0x110: {  	s28 =	rddreg [dreg:$0x16];
	v3 =	vld [tilespmem:s2+$0x18B00]  }
0x111: {  	s29 =	rddreg [dreg:$0x17];
	v5 =	vld [tilespmem:s2+$0x18B10]  }
0x112: {  	s3 =	simm.s32 $0x100;
	s30 =	rddreg [dreg:$0x18];
	v4 =	vld [tilespmem:s2+$0x18B20]  }
.LBB2_12:
0x113: {  	s8 =	sshra.s32 s3, $0x2;
	p0 =	sne.s32 s3, $0x7C00;
	v8 =	vld [tilespmem:s2+$0x18B30];
	v9 =	vmov v2  }
0x114: {  	v10 =	vld [tilespmem:s8+$0x1AA40];
	v11 =	vmov v1  }
0x115: {  	v12 =	vld [tilespmem:s8+$0x1AA50];
	v3 =	vsub.f32 v3, v6  }
.Ltmp7:
0x116: {  	v2 =	vld [tilespmem:s8+$0x1AA60];
	v5 =	vsub.f32 v5, v7;
	(pc) =	sbr.rel @p0 .LBB2_12-.Ltmp7, $4  }
0x117: {  	v1 =	vld [tilespmem:s8+$0x1AA70];
	[tilespmem:s2+$0x18B00] =	vst v3;
	v4 =	vsub.f32 v4, v9  }
0x118: {  	v3 =	vld [tilespmem:s8+$0x18B00];
	[tilespmem:s2+$0x18B10] =	vst v5;
	v8 =	vsub.f32 v8, v11  }
0x119: {  	v5 =	vld [tilespmem:s8+$0x18B10];
	[tilespmem:s2+$0x18B20] =	vst v4;
	v6 =	vmov v10  }
0x11a: {  	s3 =	sadd.s32 $0x100, s3;
	v4 =	vld [tilespmem:s8+$0x18B20];
	[tilespmem:s2+$0x18B30] =	vst v8;
	v7 =	vmov v12;
	s2 =	smov.u32 s8  }
0x11b: {  	v8 =	vld [tilespmem:s2+$0x18B30];
	_ =	sdelay $0x1  }
0x11c: {  	v3 =	vsub.f32 v3, v6  }
0x11d: {  	v5 =	vsub.f32 v5, v7  }
0x11e: {  	[tilespmem:s2+$0x18B00] =	vst v3;
	v2 =	vsub.f32 v4, v2  }
0x11f: {  	[tilespmem:s2+$0x18B10] =	vst v5;
	v1 =	vsub.f32 v8, v1  }
0x120: {  	[tilespmem:s2+$0x18B20] =	vst v2  }
0x121: {  	s12 =	rddreg [dreg:$0xa];
	[tilespmem:s2+$0x18B30] =	vst v1  }
0x122: {  	[hbm4b:s12+s11] =	stream.strided.scatter [tilespmem:s0], [sflag:$0x9], $0x1F40, s13, s11, $0x38;
	[tilespmem:$0x1C980] =	vst v63  }
0x123: {  	_ =	swait.ge [sflag:s5], $0x1F40  }
0x124: {  	[sflag:s5] =	ssyncset.done $0x0  }
0x125: {  	[sflag:s5] =	ssyncadd.s32 $0xFFFFE0C0  }
0x126: {  	[tilespmem:s0], [sflag:$0x9] =	stream.linear.gather [spmem:s15], $0x1F40, $0x38;
	[tilespmem:$0x1C980] =	vst v63  }
0x127: {  	_ =	swait.ge [sflag:s5], $0x1F40  }
0x128: {  	[sflag:s5] =	ssyncset.done $0x0  }
0x129: {  	[sflag:s5] =	ssyncadd.s32 $0xFFFFE0C0  }
0x12a: {  	[tilespmem:s14], [sflag:$0x9] =	stream.linear.gather [spmem:s28], $0x1F40, $0x38;
	[tilespmem:$0x1C980] =	vst v63  }
0x12b: {  	_ =	swait.ge [sflag:s5], $0x1F40  }
0x12c: {  	[sflag:s5] =	ssyncset.done $0x0  }
0x12d: {  	s2 =	simm.s32 $0x0;
	[sflag:s5] =	ssyncadd.s32 $0xFFFFE0C0  }
0x12e: {  	v6 =	vld [tilespmem:s2+$0x1AA40]  }
0x12f: {  	v7 =	vld [tilespmem:s2+$0x1AA50]  }
0x130: {  	v2 =	vld [tilespmem:s2+$0x1AA60]  }
0x131: {  	v1 =	vld [tilespmem:s2+$0x1AA70]  }
0x132: {  	v3 =	vld [tilespmem:s2+$0x18B00]  }
0x133: {  	v5 =	vld [tilespmem:s2+$0x18B10]  }
0x134: {  	s3 =	simm.s32 $0x100;
	s12 =	rddreg [dreg:$0x19];
	v4 =	vld [tilespmem:s2+$0x18B20]  }
.LBB2_14:
0x135: {  	s8 =	sshra.s32 s3, $0x2;
	p0 =	sne.s32 s3, $0x7C00;
	v8 =	vld [tilespmem:s2+$0x18B30];
	v9 =	vmov v2  }
0x136: {  	v10 =	vld [tilespmem:s8+$0x1AA40];
	v11 =	vmov v1  }
0x137: {  	v12 =	vld [tilespmem:s8+$0x1AA50];
	v3 =	vsub.f32 v3, v6  }
.Ltmp8:
0x138: {  	v2 =	vld [tilespmem:s8+$0x1AA60];
	v5 =	vsub.f32 v5, v7;
	(pc) =	sbr.rel @p0 .LBB2_14-.Ltmp8, $4  }
0x139: {  	v1 =	vld [tilespmem:s8+$0x1AA70];
	[tilespmem:s2+$0x18B00] =	vst v3;
	v4 =	vsub.f32 v4, v9  }
0x13a: {  	v3 =	vld [tilespmem:s8+$0x18B00];
	[tilespmem:s2+$0x18B10] =	vst v5;
	v8 =	vsub.f32 v8, v11  }
0x13b: {  	v5 =	vld [tilespmem:s8+$0x18B10];
	[tilespmem:s2+$0x18B20] =	vst v4;
	v6 =	vmov v10  }
0x13c: {  	s3 =	sadd.s32 $0x100, s3;
	v4 =	vld [tilespmem:s8+$0x18B20];
	[tilespmem:s2+$0x18B30] =	vst v8;
	v7 =	vmov v12;
	s2 =	smov.u32 s8  }
0x13d: {  	v8 =	vld [tilespmem:s2+$0x18B30];
	_ =	sdelay $0x1  }
0x13e: {  	v3 =	vsub.f32 v3, v6  }
0x13f: {  	v5 =	vsub.f32 v5, v7  }
0x140: {  	[tilespmem:s2+$0x18B00] =	vst v3;
	v2 =	vsub.f32 v4, v2  }
0x141: {  	[tilespmem:s2+$0x18B10] =	vst v5;
	v1 =	vsub.f32 v8, v1  }
0x142: {  	[tilespmem:s2+$0x18B20] =	vst v2  }
0x143: {  	s8 =	rddreg [dreg:$0xb];
	[tilespmem:s2+$0x18B30] =	vst v1  }
0x144: {  	[hbm4b:s8+s11] =	stream.strided.scatter [tilespmem:s0], [sflag:$0x9], $0x1F40, s13, s11, $0x38;
	[tilespmem:$0x1C980] =	vst v63  }
0x145: {  	_ =	swait.ge [sflag:s5], $0x1F40  }
0x146: {  	[sflag:s5] =	ssyncset.done $0x0  }
0x147: {  	[sflag:s5] =	ssyncadd.s32 $0xFFFFE0C0  }
0x148: {  	[tilespmem:s0], [sflag:$0x9] =	stream.linear.gather [spmem:s29], $0x1F40, $0x38;
	[tilespmem:$0x1C980] =	vst v63  }
0x149: {  	_ =	swait.ge [sflag:s5], $0x1F40  }
0x14a: {  	[sflag:s5] =	ssyncset.done $0x0  }
0x14b: {  	[sflag:s5] =	ssyncadd.s32 $0xFFFFE0C0  }
0x14c: {  	[tilespmem:s14], [sflag:$0x9] =	stream.linear.gather [spmem:s30], $0x1F40, $0x38;
	[tilespmem:$0x1C980] =	vst v63  }
0x14d: {  	_ =	swait.ge [sflag:s5], $0x1F40  }
0x14e: {  	[sflag:s5] =	ssyncset.done $0x0  }
0x14f: {  	s2 =	simm.s32 $0x0;
	[sflag:s5] =	ssyncadd.s32 $0xFFFFE0C0  }
0x150: {  	v6 =	vld [tilespmem:s2+$0x1AA40]  }
0x151: {  	v7 =	vld [tilespmem:s2+$0x1AA50]  }
0x152: {  	v2 =	vld [tilespmem:s2+$0x1AA60]  }
0x153: {  	v1 =	vld [tilespmem:s2+$0x1AA70]  }
0x154: {  	v3 =	vld [tilespmem:s2+$0x18B00]  }
0x155: {  	v5 =	vld [tilespmem:s2+$0x18B10]  }
0x156: {  	s3 =	simm.s32 $0x100;
	v4 =	vld [tilespmem:s2+$0x18B20]  }
.LBB2_16:
0x157: {  	s8 =	sshra.s32 s3, $0x2;
	p0 =	sne.s32 s3, $0x7C00;
	v8 =	vld [tilespmem:s2+$0x18B30];
	v9 =	vmov v2  }
0x158: {  	v10 =	vld [tilespmem:s8+$0x1AA40];
	v11 =	vmov v1  }
0x159: {  	v12 =	vld [tilespmem:s8+$0x1AA50];
	v3 =	vsub.f32 v3, v6  }
.Ltmp9:
0x15a: {  	v2 =	vld [tilespmem:s8+$0x1AA60];
	v5 =	vsub.f32 v5, v7;
	(pc) =	sbr.rel @p0 .LBB2_16-.Ltmp9, $4  }
0x15b: {  	v1 =	vld [tilespmem:s8+$0x1AA70];
	[tilespmem:s2+$0x18B00] =	vst v3;
	v4 =	vsub.f32 v4, v9  }
0x15c: {  	v3 =	vld [tilespmem:s8+$0x18B00];
	[tilespmem:s2+$0x18B10] =	vst v5;
	v8 =	vsub.f32 v8, v11  }
0x15d: {  	v5 =	vld [tilespmem:s8+$0x18B10];
	[tilespmem:s2+$0x18B20] =	vst v4;
	v6 =	vmov v10  }
0x15e: {  	s3 =	sadd.s32 $0x100, s3;
	v4 =	vld [tilespmem:s8+$0x18B20];
	[tilespmem:s2+$0x18B30] =	vst v8;
	v7 =	vmov v12;
	s2 =	smov.u32 s8  }
0x15f: {  	v8 =	vld [tilespmem:s2+$0x18B30];
	_ =	sdelay $0x1  }
0x160: {  	v3 =	vsub.f32 v3, v6  }
0x161: {  	v5 =	vsub.f32 v5, v7  }
0x162: {  	[tilespmem:s2+$0x18B00] =	vst v3;
	v2 =	vsub.f32 v4, v2  }
0x163: {  	[tilespmem:s2+$0x18B10] =	vst v5;
	v1 =	vsub.f32 v8, v1  }
0x164: {  	[tilespmem:s2+$0x18B20] =	vst v2  }
0x165: {  	s3 =	rddreg [dreg:$0xc];
	[tilespmem:s2+$0x18B30] =	vst v1  }
0x166: {  	[hbm4b:s3+s11] =	stream.strided.scatter [tilespmem:s0], [sflag:$0x9], $0x1F40, s13, s11, $0x38;
	[tilespmem:$0x1C980] =	vst v63  }
0x167: {  	_ =	swait.ge [sflag:s5], $0x1F40  }
0x168: {  	[sflag:s5] =	ssyncset.done $0x0  }
0x169: {  	[sflag:s5] =	ssyncadd.s32 $0xFFFFE0C0  }
0x16a: {  	[tilespmem:s0], [sflag:$0x9] =	stream.linear.gather [spmem:s12], $0x1F40, $0x38;
	[tilespmem:$0x1C980] =	vst v63  }
0x16b: {  	_ =	swait.ge [sflag:s5], $0x1F40  }
0x16c: {  	[sflag:s5] =	ssyncset.done $0x0  }
0x16d: {  	s8 =	rddreg [dreg:$0x1a];
	[sflag:s5] =	ssyncadd.s32 $0xFFFFE0C0  }
0x16e: {  	[tilespmem:s14], [sflag:$0x9] =	stream.linear.gather [spmem:s8], $0x1F40, $0x38;
	[tilespmem:$0x1C980] =	vst v63  }
0x16f: {  	_ =	swait.ge [sflag:s5], $0x1F40  }
0x170: {  	[sflag:s5] =	ssyncset.done $0x0  }
0x171: {  	s2 =	simm.s32 $0x0;
	[sflag:s5] =	ssyncadd.s32 $0xFFFFE0C0  }
0x172: {  	v6 =	vld [tilespmem:s2+$0x1AA40]  }
0x173: {  	v7 =	vld [tilespmem:s2+$0x1AA50]  }
0x174: {  	v2 =	vld [tilespmem:s2+$0x1AA60]  }
0x175: {  	v1 =	vld [tilespmem:s2+$0x1AA70]  }
0x176: {  	v3 =	vld [tilespmem:s2+$0x18B00]  }
0x177: {  	v5 =	vld [tilespmem:s2+$0x18B10]  }
0x178: {  	s3 =	simm.s32 $0x100;
	v4 =	vld [tilespmem:s2+$0x18B20]  }
.LBB2_18:
0x179: {  	s8 =	sshra.s32 s3, $0x2;
	p0 =	sne.s32 s3, $0x7C00;
	v8 =	vld [tilespmem:s2+$0x18B30];
	v9 =	vmov v2  }
0x17a: {  	v10 =	vld [tilespmem:s8+$0x1AA40];
	v11 =	vmov v1  }
0x17b: {  	v12 =	vld [tilespmem:s8+$0x1AA50];
	v3 =	vsub.f32 v3, v6  }
.Ltmp10:
0x17c: {  	v2 =	vld [tilespmem:s8+$0x1AA60];
	v5 =	vsub.f32 v5, v7;
	(pc) =	sbr.rel @p0 .LBB2_18-.Ltmp10, $4  }
0x17d: {  	v1 =	vld [tilespmem:s8+$0x1AA70];
	[tilespmem:s2+$0x18B00] =	vst v3;
	v4 =	vsub.f32 v4, v9  }
0x17e: {  	v3 =	vld [tilespmem:s8+$0x18B00];
	[tilespmem:s2+$0x18B10] =	vst v5;
	v8 =	vsub.f32 v8, v11  }
0x17f: {  	v5 =	vld [tilespmem:s8+$0x18B10];
	[tilespmem:s2+$0x18B20] =	vst v4;
	v6 =	vmov v10  }
0x180: {  	s3 =	sadd.s32 $0x100, s3;
	v4 =	vld [tilespmem:s8+$0x18B20];
	[tilespmem:s2+$0x18B30] =	vst v8;
	v7 =	vmov v12;
	s2 =	smov.u32 s8  }
0x181: {  	v8 =	vld [tilespmem:s2+$0x18B30];
	_ =	sdelay $0x1  }
0x182: {  	v3 =	vsub.f32 v3, v6  }
0x183: {  	v5 =	vsub.f32 v5, v7  }
0x184: {  	[tilespmem:s2+$0x18B00] =	vst v3;
	v2 =	vsub.f32 v4, v2  }
0x185: {  	[tilespmem:s2+$0x18B10] =	vst v5;
	v1 =	vsub.f32 v8, v1  }
0x186: {  	[tilespmem:s2+$0x18B20] =	vst v2  }
0x187: {  	s8 =	rddreg [dreg:$0xd];
	[tilespmem:s2+$0x18B30] =	vst v1  }
0x188: {  	[hbm4b:s8+s11] =	stream.strided.scatter [tilespmem:s0], [sflag:$0x9], $0x1F40, s13, s11, $0x38;
	[tilespmem:$0x1C980] =	vst v63  }
0x189: {  	_ =	swait.ge [sflag:s5], $0x1F40  }
0x18a: {  	s3 =	sld [smem:$0x7FD];
	_ =	sdelay $0x2  }
0x18b: {  	s14 =	rddreg [dreg:$0x1b];
	s3 =	sadd.s32 $0x1, s3  }
0x18c: {  	p0 =	sne.s32 s3, s14  }
.Ltmp11:
0x18d: {  	_ = 	snop;
	(pc) =	sbr.rel @p0 .LBB2_1-.Ltmp11, $3  }
0x18e: {  	_ =	sdelay $0x1  }
0x18f: {  	[sflag:s5] =	ssyncset.done $0x0  }
0x190: {  	[sflag:s5] =	ssyncadd.s32 $0xFFFFE0C0  }
0x191: {  	_ =	sfence.sel $0x180000  }
0x192: {  	[bflag:$0x0] =	sbarrier.arrive $0xFFFF  }
0x193: {  	_ =	strace $0x90000047  }
0x194: {  	s0 =	stileid.u32;
	[bflag:$0x2] =	sbarrier.arrive $0xFFFF  }
0x195: {  	p0 =	sne.s32 s0, $0x0;
	s0 =	rddreg [dreg:$0x6]  }
0x196: {  	s0 =	sadd.s32 @!p0 $0x100000, s0  }
0x197: {  	[sflag:s0] =	ssyncadd.tile.s32 @!p0 $0x1;
	_ =	shalt  }
.Lfunc_end2:
_tile_overlayer_lowered:
.L_overlay_start_2:
0x198: {  	(tag) =	ssettag $0x2  }
0x199: {  	s0 =	rddreg [dreg:$0x0];
	s2 =	stileid.u32  }
0x19a: {  	s1 =	rddreg [dreg:$0x1];
	p0 =	sne.s32 s2, $0x0  }
0x19b: {  	s3 =	rddreg [dreg:$0x2];
	[bflag:$0x3] =	sbarrier.arrive $0xFFFF;
	s2 =	simm.s32 @!p0 $0x1C09  }
0x19c: {  	[timem:s3], [sflag:s2] =	dma.local @!p0 [hbm:s0], s1  }
0x19d: {  	s0 =	simm.s32 @!p0 $0x9  }
0x19e: {  	_ =	swait.ge @!p0 [sflag:s0], s1  }
0x19f: {  	s1 =	ssub.s32 @!p0 $0x0, s1;
	[sflag:s0] =	ssyncset.done @!p0 $0x0  }
0x1a0: {  	[sflag:s0] =	ssyncadd.s32 @!p0 s1  }
0x1a1: {  	[bflag:$0x3] =	sbarrier.arrive $0xFFFF  }
0x1a2: {  	_ =	shalt  }

</sc_bundles>
